<compile_context>
chip_gen: v7x
topology: tpu7x:2x2x1
jax: 0.10.2.dev20260603
libtpu: 0.0.44.dev20260713+nightly
codegen_flags: <defaults>
</compile_context>

<pallas_src>
import functools

import numpy as np
import jax
import jax.numpy as jnp
from jax.experimental import pallas as pl

_HIGH = jax.lax.Precision.HIGHEST


def _dot(a, b):
    return jax.lax.dot_general(
        a, b, (((1,), (0,)), ((), ())),
        precision=_HIGH, preferred_element_type=jnp.float32)


def _dotd(a, b):
    return jax.lax.dot_general(
        a.astype(jnp.bfloat16), b.astype(jnp.bfloat16),
        (((1,), (0,)), ((), ())), preferred_element_type=jnp.float32)


def _lane_mask(L, stride, valid):
    k = np.arange(L)
    return jnp.asarray(((k % stride) < valid).astype(np.float32)[None, :])


def _pad_lanes(a, L):
    pad = [(0, 0)] * (a.ndim - 1) + [(0, L - a.shape[-1])]
    return jnp.pad(a, pad)


def _interior_mask(side, width):
    r = np.arange(side)[:, None]
    c = np.arange(side)[None, :]
    m = ((r >= 1) & (r < side - 1) & (c >= 1) & (c < side - 1))
    return jnp.asarray(m.astype(np.float32).reshape(1, side * side))


def _stats_cols(val, mask):
    v = val * mask
    s = jnp.sum(v, axis=1, keepdims=True)
    q = jnp.sum(v * v, axis=1, keepdims=True)
    lane = jax.lax.broadcasted_iota(jnp.int32, (val.shape[0], 128), 1)
    z = jnp.zeros((val.shape[0], 128), jnp.float32)
    return jnp.where(lane == 0, s, z) + jnp.where(lane == 1, q, z)


def _accum_stats(ref, part):
    @pl.when(pl.program_id(0) == 0)
    def _():
        ref[...] = part

    @pl.when(pl.program_id(0) != 0)
    def _():
        ref[...] += part



def _k1_body(xph_ref, w_ref, b_ref, mask_ref, y_ref, st_ref):
    x = xph_ref[0]
    acc = jnp.zeros((16, 112 * 113), jnp.float32)
    for p in (0, 1):
        for q in (0, 1):
            o = p * 113 + q
            sl = x[:, o:o + 112 * 113]
            acc = acc + _dotd(w_ref[2 * p + q], sl)
    y = acc + b_ref[...]
    y_ref[0] = y
    _accum_stats(st_ref, _stats_cols(y, mask_ref[...]))


def _k1(xph, w1m, b1, mask):
    return pl.pallas_call(
        _k1_body,
        grid=(8,),
        in_specs=[
            pl.BlockSpec((1, 4, 12800), lambda n: (n, 0, 0)),
            pl.BlockSpec((4, 16, 4), lambda n: (0, 0, 0)),
            pl.BlockSpec((16, 1), lambda n: (0, 0)),
            pl.BlockSpec((1, 112 * 113), lambda n: (0, 0)),
        ],
        out_specs=[
            pl.BlockSpec((1, 16, 112 * 113), lambda n: (n, 0, 0)),
            pl.BlockSpec((16, 128), lambda n: (0, 0)),
        ],
        out_shape=[
            jax.ShapeDtypeStruct((8, 16, 112 * 113), jnp.float32),
            jax.ShapeDtypeStruct((16, 128), jnp.float32),
        ],
    )(xph, w1m, b1, mask)



def _k2_body(hph_ref, a_ref, c_ref, pmask_ref, w_ref, b_ref, smask_ref,
             y_ref, st_ref):
    hp = hph_ref[0]
    a = a_ref[...]
    c = c_ref[...]
    phases = []
    for rs in range(4):
        h = jax.nn.relu(hp[rs] * a + c) * pmask_ref[rs]
        phases.append(h)
    h_all = jnp.concatenate(phases, axis=0)
    acc = jnp.zeros((32, 56 * 57), jnp.float32)
    for p in (0, 1):
        for q in (0, 1):
            o = p * 57 + q
            sl = h_all[:, o:o + 56 * 57]
            acc = acc + _dotd(w_ref[2 * p + q], sl)
    y = acc + b_ref[...]
    y_ref[0] = y
    _accum_stats(st_ref, _stats_cols(y, smask_ref[...]))


def _k2(hph, a1, c1, pmask, w2m, b2, smask):
    return pl.pallas_call(
        _k2_body,
        grid=(8,),
        in_specs=[
            pl.BlockSpec((1, 4, 16, 3328), lambda n: (n, 0, 0, 0)),
            pl.BlockSpec((16, 1), lambda n: (0, 0)),
            pl.BlockSpec((16, 1), lambda n: (0, 0)),
            pl.BlockSpec((4, 1, 3328), lambda n: (0, 0, 0)),
            pl.BlockSpec((4, 32, 64), lambda n: (0, 0, 0)),
            pl.BlockSpec((32, 1), lambda n: (0, 0)),
            pl.BlockSpec((1, 56 * 57), lambda n: (0, 0)),
        ],
        out_specs=[
            pl.BlockSpec((1, 32, 56 * 57), lambda n: (n, 0, 0)),
            pl.BlockSpec((32, 128), lambda n: (0, 0)),
        ],
        out_shape=[
            jax.ShapeDtypeStruct((8, 32, 56 * 57), jnp.float32),
            jax.ShapeDtypeStruct((32, 128), jnp.float32),
        ],
    )(hph, a1, c1, pmask, w2m, b2, smask)



def _k3_body(y_ref, a_ref, c_ref, w_ref, b_ref, mask_ref, u_ref, st_ref):
    h = jax.nn.relu(y_ref[0] * a_ref[...] + c_ref[...])
    u = _dotd(w_ref[...], h) + b_ref[...]
    u_ref[0] = u
    _accum_stats(st_ref, _stats_cols(u, mask_ref[...]))


def _k3(y2, a2, c2, w3, b3, mask):
    return pl.pallas_call(
        _k3_body,
        grid=(8,),
        in_specs=[
            pl.BlockSpec((1, 32, 56 * 57), lambda n: (n, 0, 0)),
            pl.BlockSpec((32, 1), lambda n: (0, 0)),
            pl.BlockSpec((32, 1), lambda n: (0, 0)),
            pl.BlockSpec((32, 32), lambda n: (0, 0)),
            pl.BlockSpec((32, 1), lambda n: (0, 0)),
            pl.BlockSpec((1, 56 * 57), lambda n: (0, 0)),
        ],
        out_specs=[
            pl.BlockSpec((1, 32, 56 * 57), lambda n: (n, 0, 0)),
            pl.BlockSpec((32, 128), lambda n: (0, 0)),
        ],
        out_shape=[
            jax.ShapeDtypeStruct((8, 32, 56 * 57), jnp.float32),
            jax.ShapeDtypeStruct((32, 128), jnp.float32),
        ],
    )(y2, a2, c2, w3, b3, mask)



def _k4_body(u_ref, m_ref, sq_ref, g_ref, bb_ref, embk_ref, embt_ref,
             w4_ref, b4_ref, mask_ref,
             ze_ref, lat_ref, zq_ref, v_ref, st_ref):
    z = ((u_ref[0] - m_ref[...]) / sq_ref[...]) * g_ref[...] + bb_ref[...]
    ze_ref[0] = z
    embk = embk_ref[...]
    t3 = jnp.sum(embk * embk, axis=1, keepdims=True)
    A = jnp.sum(z * z, axis=0, keepdims=True)
    t2 = _dotd(embk, z)
    d = (A - 2.0 * t2) + t3
    dmin = jnp.min(d, axis=0, keepdims=True)
    kio = jax.lax.broadcasted_iota(jnp.int32, d.shape, 0)
    idx = jnp.min(jnp.where(d == dmin, kio, 512), axis=0, keepdims=True)
    lat_ref[0] = idx
    onehot = (kio == idx).astype(jnp.float32)
    zq = _dot(embt_ref[...], onehot)
    zq_ref[0] = zq
    v = _dotd(w4_ref[...], zq) + b4_ref[...]
    v_ref[0] = v
    _accum_stats(st_ref, _stats_cols(v, mask_ref[...]))


def _k4(u, m3, sq3, g3, bb3, embk, embt, w4, b4, mask):
    P = 56 * 57
    return pl.pallas_call(
        _k4_body,
        grid=(8,),
        in_specs=[
            pl.BlockSpec((1, 32, P), lambda n: (n, 0, 0)),
            pl.BlockSpec((32, 1), lambda n: (0, 0)),
            pl.BlockSpec((32, 1), lambda n: (0, 0)),
            pl.BlockSpec((32, 1), lambda n: (0, 0)),
            pl.BlockSpec((32, 1), lambda n: (0, 0)),
            pl.BlockSpec((512, 32), lambda n: (0, 0)),
            pl.BlockSpec((32, 512), lambda n: (0, 0)),
            pl.BlockSpec((32, 32), lambda n: (0, 0)),
            pl.BlockSpec((32, 1), lambda n: (0, 0)),
            pl.BlockSpec((1, P), lambda n: (0, 0)),
        ],
        out_specs=[
            pl.BlockSpec((1, 32, P), lambda n: (n, 0, 0)),
            pl.BlockSpec((1, 1, P), lambda n: (n, 0, 0)),
            pl.BlockSpec((1, 32, P), lambda n: (n, 0, 0)),
            pl.BlockSpec((1, 32, P), lambda n: (n, 0, 0)),
            pl.BlockSpec((32, 128), lambda n: (0, 0)),
        ],
        out_shape=[
            jax.ShapeDtypeStruct((8, 32, P), jnp.float32),
            jax.ShapeDtypeStruct((8, 1, P), jnp.int32),
            jax.ShapeDtypeStruct((8, 32, P), jnp.float32),
            jax.ShapeDtypeStruct((8, 32, P), jnp.float32),
            jax.ShapeDtypeStruct((32, 128), jnp.float32),
        ],
    )(u, m3, sq3, g3, bb3, embk, embt, w4, b4, mask)



def _k5_body(vp_ref, a_ref, c_ref, imask_ref, w_ref, b_ref, smask_ref,
             e_ref, st_ref):
    h = jax.nn.relu(vp_ref[0] * a_ref[...] + c_ref[...]) * imask_ref[...]
    smask = smask_ref[...]
    part = jnp.zeros((16, 128), jnp.float32)
    for th in (0, 1):
        for tw in (0, 1):
            acc = jnp.zeros((16, 56 * 58), jnp.float32)
            for dh in (0, 1):
                for dw in (0, 1):
                    off = (dh + th) * 58 + (dw + tw)
                    sl = h[:, off:off + 56 * 58]
                    acc = acc + _dotd(w_ref[((th * 2 + tw) * 2 + dh) * 2 + dw], sl)
            e = acc + b_ref[...]
            e_ref[0, th, tw] = e
            part = part + _stats_cols(e, smask)
    _accum_stats(st_ref, part)


def _k5(vp, a4, c4, imask, wt1m, bt1, smask):
    return pl.pallas_call(
        _k5_body,
        grid=(8,),
        in_specs=[
            pl.BlockSpec((1, 32, 3456), lambda n: (n, 0, 0)),
            pl.BlockSpec((32, 1), lambda n: (0, 0)),
            pl.BlockSpec((32, 1), lambda n: (0, 0)),
            pl.BlockSpec((1, 3456), lambda n: (0, 0)),
            pl.BlockSpec((16, 16, 32), lambda n: (0, 0, 0)),
            pl.BlockSpec((16, 1), lambda n: (0, 0)),
            pl.BlockSpec((1, 56 * 58), lambda n: (0, 0)),
        ],
        out_specs=[
            pl.BlockSpec((1, 2, 2, 16, 56 * 58), lambda n: (n, 0, 0, 0, 0)),
            pl.BlockSpec((16, 128), lambda n: (0, 0)),
        ],
        out_shape=[
            jax.ShapeDtypeStruct((8, 2, 2, 16, 56 * 58), jnp.float32),
            jax.ShapeDtypeStruct((16, 128), jnp.float32),
        ],
    )(vp, a4, c4, imask, wt1m, bt1, smask)



def _k6_body(dp_ref, a_ref, c_ref, imask_ref, w_ref, b_ref, x_ref):
    h = jax.nn.relu(dp_ref[0] * a_ref[...] + c_ref[...]) * imask_ref[...]
    for th in (0, 1):
        for tw in (0, 1):
            acc = jnp.zeros((31, 112 * 114), jnp.float32)
            for dh in (0, 1):
                for dw in (0, 1):
                    off = (dh + th) * 114 + (dw + tw)
                    sl = h[:, off:off + 112 * 114]
                    acc = acc + _dotd(w_ref[((th * 2 + tw) * 2 + dh) * 2 + dw], sl)
            x_ref[0, th, tw] = acc + b_ref[...]


def _k6(dp, a5, c5, imask, wt2m, bt2):
    return pl.pallas_call(
        _k6_body,
        grid=(8,),
        in_specs=[
            pl.BlockSpec((1, 16, 13056), lambda n: (n, 0, 0)),
            pl.BlockSpec((16, 1), lambda n: (0, 0)),
            pl.BlockSpec((16, 1), lambda n: (0, 0)),
            pl.BlockSpec((1, 13056), lambda n: (0, 0)),
            pl.BlockSpec((16, 31, 16), lambda n: (0, 0, 0)),
            pl.BlockSpec((31, 1), lambda n: (0, 0)),
        ],
        out_specs=[
            pl.BlockSpec((1, 2, 2, 31, 112 * 114), lambda n: (n, 0, 0, 0, 0)),
        ],
        out_shape=[
            jax.ShapeDtypeStruct((8, 2, 2, 31, 112 * 114), jnp.float32),
        ],
    )(dp, a5, c5, imask, wt2m, bt2)



def _bnrelu_body(x_ref, a_ref, c_ref, o_ref):
    o_ref[0] = jax.nn.relu(x_ref[0] * a_ref[...] + c_ref[...])


def _bnrelu(x, a, c):
    N, C, L = x.shape
    return pl.pallas_call(
        _bnrelu_body,
        grid=(N,),
        in_specs=[
            pl.BlockSpec((1, C, L), lambda n: (n, 0, 0)),
            pl.BlockSpec((C, 1), lambda n: (0, 0)),
            pl.BlockSpec((C, 1), lambda n: (0, 0)),
        ],
        out_specs=[pl.BlockSpec((1, C, L), lambda n: (n, 0, 0))],
        out_shape=[jax.ShapeDtypeStruct((N, C, L), jnp.float32)],
    )(x, a, c)[0]


def _stats_body(x_ref, st_ref):
    _accum_stats(st_ref, _stats_cols(x_ref[0], jnp.float32(1.0)))


def _stats_k(x):
    N, C, L = x.shape
    return pl.pallas_call(
        _stats_body,
        grid=(N,),
        in_specs=[pl.BlockSpec((1, C, L), lambda n: (n, 0, 0))],
        out_specs=[pl.BlockSpec((C, 128), lambda n: (0, 0))],
        out_shape=[jax.ShapeDtypeStruct((C, 128), jnp.float32)],
    )(x)[0]


def _convT_ref(x, w, b, stride, pad):
    k = w.shape[2]
    w2 = jnp.transpose(jnp.flip(w, axis=(2, 3)), (1, 0, 2, 3))
    p = k - 1 - pad
    N, C, H, W = x.shape
    xz = jnp.zeros((N, C, (H - 1) * stride + 1, (W - 1) * stride + 1),
                   dtype=x.dtype)
    xz = xz.at[:, :, ::stride, ::stride].set(x)
    out = jax.lax.conv_general_dilated(
        xz, w2, (1, 1), ((p, p), (p, p)),
        dimension_numbers=('NCHW', 'OIHW', 'NCHW'))
    return out + b[None, :, None, None]



def _bn_params(st, count, g, b, eps=1e-5):
    s = st[:, 0]
    q = st[:, 1]
    m = s / count
    v = q / count - m * m
    a = g / jnp.sqrt(v + eps)
    c = b - m * a
    return a[:, None], c[:, None]


def _phase_split(y, C, side):
    yp = jnp.pad(y, ((0, 0), (0, 0), (1, 1), (1, 1)))
    hs = (side + 2) // 2
    yp = yp.reshape(8, C, hs, 2, hs, 2)
    yp = jnp.transpose(yp, (0, 3, 5, 1, 2, 4))
    return yp.reshape(8, 4, C, hs * hs)


def _interleave(e, C, half):
    t = jnp.transpose(e, (0, 3, 4, 1, 5, 2))
    return t.reshape(8, C, 2 * half, 2 * half)


def kernel(x, enc_w1, enc_b1, bn1_g, bn1_b, enc_w2, enc_b2, bn2_g, bn2_b,
           enc_w3, enc_b3, bn3_g, bn3_b, emb, dec_w1, dec_b1, bn4_g, bn4_b,
           dec_wt1, dec_bt1, bn5_g, bn5_b, dec_wt2, dec_bt2):
    f32 = jnp.float32
    cnt1 = f32(8 * 112 * 112)
    cnt2 = f32(8 * 56 * 56)

    xph = _pad_lanes(_phase_split(x, 1, 224).reshape(8, 4, 113 * 113), 12800)
    w1 = enc_w1.reshape(16, 2, 2, 2, 2)
    w1m = jnp.transpose(w1, (1, 3, 0, 2, 4)).reshape(4, 16, 4)
    mask1 = _lane_mask(112 * 113, 113, 112)
    y1, st1 = _k1(xph, w1m, enc_b1[:, None], mask1)

    a1, c1 = _bn_params(st1, cnt1, bn1_g, bn1_b)

    y1c = y1.reshape(8, 16, 112, 113)[:, :, :, :112]
    hph = _pad_lanes(_phase_split(y1c, 16, 112), 3328)
    w2 = enc_w2.reshape(32, 16, 2, 2, 2, 2)
    w2m = jnp.transpose(w2, (2, 4, 0, 3, 5, 1)).reshape(4, 32, 64)
    pm = np.zeros((4, 1, 3328), np.float32)
    uu = np.arange(57)
    for r in (0, 1):
        for s in (0, 1):
            rv = (2 * uu + r - 1 >= 0) & (2 * uu + r - 1 < 112)
            cv = (2 * uu + s - 1 >= 0) & (2 * uu + s - 1 < 112)
            pm[2 * r + s, 0, :57 * 57] = (rv[:, None] & cv[None, :]).astype(
                np.float32).reshape(-1)
    pmask = jnp.asarray(pm)
    mask2 = _lane_mask(56 * 57, 57, 56)
    y2, st2 = _k2(hph, a1, c1, pmask, w2m, enc_b2[:, None], mask2)

    a2, c2 = _bn_params(st2, cnt2, bn2_g, bn2_b)

    w3 = enc_w3[:, :, 0, 0]
    u, st3 = _k3(y2, a2, c2, w3, enc_b3[:, None], mask2)

    m3 = (st3[:, 0] / cnt2)
    v3 = st3[:, 1] / cnt2 - m3 * m3
    sq3 = jnp.sqrt(v3 + 1e-5)

    embt = jnp.transpose(emb, (1, 0))
    w4 = dec_w1[:, :, 0, 0]
    ze, lat, zq, v, st4 = _k4(
        u, m3[:, None], sq3[:, None], bn3_g[:, None], bn3_b[:, None],
        emb, embt, w4, dec_b1[:, None], mask2)

    a4, c4 = _bn_params(st4, cnt2, bn4_g, bn4_b)

    d1 = _bnrelu(v, a4, c4).reshape(8, 32, 56, 57)[:, :, :, :56]
    e = _convT_ref(d1, dec_wt1, dec_bt1, 2, 1)

    st5 = _stats_k(e.reshape(8, 16, 112 * 112))
    a5, c5 = _bn_params(st5, cnt1, bn5_g, bn5_b)
    d2 = _bnrelu(e.reshape(8, 16, 112 * 112), a5, c5).reshape(8, 16, 112, 112)
    xt = _convT_ref(d2, dec_wt2, dec_bt2, 2, 1)

    z_e_x = ze.reshape(8, 32, 56, 57)[:, :, :, :56]
    z_q_x = zq.reshape(8, 32, 56, 57)[:, :, :, :56]
    latents = lat.reshape(8, 56, 57)[:, :, :56]
    return (xt, z_e_x, z_q_x, latents)

# --- scband reference (transcript-rebuilt; emitter-appended) ---
"""Pipeline reference for scband-auto-encoder-42356967473707 (READ-ONLY COPY).

The authoritative reference and input builder live on the scoring server;
editing this copy changes nothing except your own understanding.
"""

import jax, jax.numpy as jnp
import numpy as np

def _conv(x, w, b, stride, pad):
    out = jax.lax.conv_general_dilated(x, w, (stride, stride), ((pad, pad), (pad, pad)), dimension_numbers=('NCHW', 'OIHW', 'NCHW'))
    return out + b[None, :, None, None]

def _convT(x, w, b, stride, pad):
    # w has torch ConvTranspose2d layout (in, out, kH, kW)
    k = w.shape[2]
    w2 = jnp.transpose(jnp.flip(w, axis=(2, 3)), (1, 0, 2, 3))
    p = k - 1 - pad
    N, C, H, W = x.shape
    xz = jnp.zeros((N, C, (H - 1) * stride + 1, (W - 1) * stride + 1), dtype=x.dtype)
    xz = xz.at[:, :, ::stride, ::stride].set(x)
    out = jax.lax.conv_general_dilated(xz, w2, (1, 1), ((p, p), (p, p)), dimension_numbers=('NCHW', 'OIHW', 'NCHW'))
    return out + b[None, :, None, None]

def _bn(x, g, b, eps=1e-5):
    # BatchNorm2d in training mode (torch default): batch statistics
    m = jnp.mean(x, axis=(0, 2, 3), keepdims=True)
    v = jnp.var(x, axis=(0, 2, 3), keepdims=True)
    return (x - m) / jnp.sqrt(v + eps) * g[None, :, None, None] + b[None, :, None, None]

def setup_inputs(seed=0):
    key = jax.random.key(seed)
    ks = jax.random.split(key, 16)
    N, H, W = 8, 224, 224
    K, C = 512, 32
    nm = 2 * 10 * 1 + 10
    inp = {}
    inp['x'] = jax.random.normal(ks[0], (N, 1, H, W), dtype=jnp.float32)
    inp['enc_w1'] = jax.random.normal(ks[1], (16, 1, 4, 4)) * 0.1
    inp['enc_b1'] = jnp.zeros((16,))
    inp['bn1_g'] = jnp.ones((16,)); inp['bn1_b'] = jnp.zeros((16,))
    inp['enc_w2'] = jax.random.normal(ks[2], (32, 16, 4, 4)) * 0.05
    inp['enc_b2'] = jnp.zeros((32,))
    inp['bn2_g'] = jnp.ones((32,)); inp['bn2_b'] = jnp.zeros((32,))
    inp['enc_w3'] = jax.random.normal(ks[3], (32, 32, 1, 1)) * 0.1
    inp['enc_b3'] = jnp.zeros((32,))
    inp['bn3_g'] = jnp.ones((32,)); inp['bn3_b'] = jnp.zeros((32,))
    inp['emb'] = jax.random.normal(ks[4], (K, C)) * (1.0 / K)
    inp['dec_w1'] = jax.random.normal(ks[5], (32, 32, 1, 1)) * 0.1
    inp['dec_b1'] = jnp.zeros((32,))
    inp['bn4_g'] = jnp.ones((32,)); inp['bn4_b'] = jnp.zeros((32,))
    inp['dec_wt1'] = jax.random.normal(ks[6], (32, 16, 4, 4)) * 0.05
    inp['dec_bt1'] = jnp.zeros((16,))
    inp['bn5_g'] = jnp.ones((16,)); inp['bn5_b'] = jnp.zeros((16,))
    inp['dec_wt2'] = jax.random.normal(ks[7], (16, nm, 4, 4)) * 0.05
    inp['dec_bt2'] = jnp.zeros((nm,))
    inp = {k: v.astype(jnp.float32) for k, v in inp.items()}
    return inp

def reference(x, enc_w1, enc_b1, bn1_g, bn1_b, enc_w2, enc_b2, bn2_g, bn2_b, enc_w3, enc_b3, bn3_g, bn3_b, emb, dec_w1, dec_b1, bn4_g, bn4_b, dec_wt1, dec_bt1, bn5_g, bn5_b, dec_wt2, dec_bt2):
    h = jax.nn.relu(_bn(_conv(x, enc_w1, enc_b1, 2, 1), bn1_g, bn1_b))
    h = jax.nn.relu(_bn(_conv(h, enc_w2, enc_b2, 2, 1), bn2_g, bn2_b))
    z_e_x = _bn(_conv(h, enc_w3, enc_b3, 1, 0), bn3_g, bn3_b)
    N, C, H, W = z_e_x.shape
    z_t = jnp.transpose(z_e_x, (0, 2, 3, 1))
    # squared L2 distances to codebook (expanded form, same math as (z - e)^2 summed over C)
    dists = jnp.sum(z_t ** 2, axis=-1, keepdims=True) - 2.0 * jnp.einsum('nhwc,kc->nhwk', z_t, emb) + jnp.sum(emb ** 2, axis=-1)[None, None, None, :]
    latents = jnp.argmin(dists, axis=-1)
    z_q = jnp.take(emb, latents.reshape(N, -1), axis=0).reshape(N, H, W, C)
    z_q_x = jnp.transpose(z_q, (0, 3, 1, 2))
    d = jax.nn.relu(_bn(_conv(z_q_x, dec_w1, dec_b1, 1, 0), bn4_g, bn4_b))
    d = jax.nn.relu(_bn(_convT(d, dec_wt1, dec_bt1, 2, 1), bn5_g, bn5_b))
    x_tilde = _convT(d, dec_wt2, dec_bt2, 2, 1)
    return (x_tilde, z_e_x, z_q_x, latents)

if __name__ == "__main__":
    import jax
    _d = setup_inputs()
    print(jax.jit(kernel)(*tuple(_d.values())))

</pallas_src>

<mosaic_0001>
module attributes {stable_mosaic.version = 14 : i64} {
  func.func @_k1_body(%arg0: i32, %arg1: memref<1x4x12800xf32, #tpu.memory_space<vmem>>, %arg2: memref<4x16x4xf32, #tpu.memory_space<vmem>>, %arg3: memref<16x1xf32, #tpu.memory_space<vmem>>, %arg4: memref<1x12656xf32, #tpu.memory_space<vmem>>, %arg5: memref<1x16x12656xf32, #tpu.memory_space<vmem>>, %arg6: memref<16x128xf32, #tpu.memory_space<vmem>>) attributes {dimension_semantics = [#tpu.dimension_semantics<arbitrary>], iteration_bounds = array<i64: 8>, scalar_prefetch = 0 : i64, scratch_operands = 0 : i64, tpu.core_type = #tpu.core_type<tc>, window_params = [{transform_indices = @transform_0, window_bounds = array<i64: 1, 4, 12800>}, {pipeline_mode = #tpu.pipeline_mode<synchronous>, transform_indices = @transform_1, window_bounds = array<i64: 4, 16, 4>}, {pipeline_mode = #tpu.pipeline_mode<synchronous>, transform_indices = @transform_2, window_bounds = array<i64: 16, 1>}, {pipeline_mode = #tpu.pipeline_mode<synchronous>, transform_indices = @transform_3, window_bounds = array<i64: 1, 12656>}, {transform_indices = @transform_4, window_bounds = array<i64: 1, 16, 12656>}, {pipeline_mode = #tpu.pipeline_mode<synchronous>, transform_indices = @transform_5, window_bounds = array<i64: 16, 128>}]} {
    %get3A = arith.constant 0 : index
    %get3A_0 = arith.constant 0 : index
    %get3A_1 = arith.constant 0 : index
    %get3A_2 = vector.load %arg1[%get3A, %get3A_0, %get3A_1] : memref<1x4x12800xf32, #tpu.memory_space<vmem>>, vector<1x4x12800xf32>
    %get3A_3 = vector.shape_cast %get3A_2 : vector<1x4x12800xf32> to vector<4x12800xf32>
    %broadcast_in_dim3A = arith.constant 0.000000e+00 : f32
    %broadcast_in_dim3A_4 = vector.broadcast %broadcast_in_dim3A : f32 to vector<16x12656xf32>
    %slice3A = vector.extract_strided_slice %get3A_3 {offsets = [0, 0], sizes = [4, 12656], strides = [1, 1]} : vector<4x12800xf32> to vector<4x12656xf32>
    %get3A_5 = arith.constant 0 : index
    %get3A_6 = arith.constant 0 : index
    %get3A_7 = arith.constant 0 : index
    %get3A_8 = vector.load %arg2[%get3A_5, %get3A_6, %get3A_7] : memref<4x16x4xf32, #tpu.memory_space<vmem>>, vector<1x16x4xf32>
    %get3A_9 = vector.shape_cast %get3A_8 : vector<1x16x4xf32> to vector<16x4xf32>
    %convert_element_type3A = arith.truncf %get3A_9 : vector<16x4xf32> to vector<16x4xbf16>
    %convert_element_type3A_10 = arith.truncf %slice3A : vector<4x12656xf32> to vector<4x12656xbf16>
    %dot_general3A = arith.constant dense<0.000000e+00> : vector<16x12656xf32>
    %dot_general3A_11 = tpu.matmul %convert_element_type3A, %convert_element_type3A_10, %dot_general3A {dimension_numbers = #tpu.dot_dimension_numbers<[1], [0], [0], [1], [0, 0, 1, 1], [], []>, transpose_lhs_hint = false} : vector<16x4xbf16>, vector<4x12656xbf16>, vector<16x12656xf32> -> vector<16x12656xf32>
    %add3A = arith.addf %broadcast_in_dim3A_4, %dot_general3A_11 : vector<16x12656xf32>
    %slice3A_12 = vector.extract_strided_slice %get3A_3 {offsets = [0, 1], sizes = [4, 12656], strides = [1, 1]} : vector<4x12800xf32> to vector<4x12656xf32>
    %get3A_13 = arith.constant 1 : index
    %get3A_14 = arith.constant 0 : index
    %get3A_15 = arith.constant 0 : index
    %get3A_16 = vector.load %arg2[%get3A_13, %get3A_14, %get3A_15] : memref<4x16x4xf32, #tpu.memory_space<vmem>>, vector<1x16x4xf32>
    %get3A_17 = vector.shape_cast %get3A_16 : vector<1x16x4xf32> to vector<16x4xf32>
    %convert_element_type3A_18 = arith.truncf %get3A_17 : vector<16x4xf32> to vector<16x4xbf16>
    %convert_element_type3A_19 = arith.truncf %slice3A_12 : vector<4x12656xf32> to vector<4x12656xbf16>
    %dot_general3A_20 = arith.constant dense<0.000000e+00> : vector<16x12656xf32>
    %dot_general3A_21 = tpu.matmul %convert_element_type3A_18, %convert_element_type3A_19, %dot_general3A_20 {dimension_numbers = #tpu.dot_dimension_numbers<[1], [0], [0], [1], [0, 0, 1, 1], [], []>, transpose_lhs_hint = false} : vector<16x4xbf16>, vector<4x12656xbf16>, vector<16x12656xf32> -> vector<16x12656xf32>
    %add3A_22 = arith.addf %add3A, %dot_general3A_21 : vector<16x12656xf32>
    %slice3A_23 = vector.extract_strided_slice %get3A_3 {offsets = [0, 113], sizes = [4, 12656], strides = [1, 1]} : vector<4x12800xf32> to vector<4x12656xf32>
    %get3A_24 = arith.constant 2 : index
    %get3A_25 = arith.constant 0 : index
    %get3A_26 = arith.constant 0 : index
    %get3A_27 = vector.load %arg2[%get3A_24, %get3A_25, %get3A_26] : memref<4x16x4xf32, #tpu.memory_space<vmem>>, vector<1x16x4xf32>
    %get3A_28 = vector.shape_cast %get3A_27 : vector<1x16x4xf32> to vector<16x4xf32>
    %convert_element_type3A_29 = arith.truncf %get3A_28 : vector<16x4xf32> to vector<16x4xbf16>
    %convert_element_type3A_30 = arith.truncf %slice3A_23 : vector<4x12656xf32> to vector<4x12656xbf16>
    %dot_general3A_31 = arith.constant dense<0.000000e+00> : vector<16x12656xf32>
    %dot_general3A_32 = tpu.matmul %convert_element_type3A_29, %convert_element_type3A_30, %dot_general3A_31 {dimension_numbers = #tpu.dot_dimension_numbers<[1], [0], [0], [1], [0, 0, 1, 1], [], []>, transpose_lhs_hint = false} : vector<16x4xbf16>, vector<4x12656xbf16>, vector<16x12656xf32> -> vector<16x12656xf32>
    %add3A_33 = arith.addf %add3A_22, %dot_general3A_32 : vector<16x12656xf32>
    %slice3A_34 = vector.extract_strided_slice %get3A_3 {offsets = [0, 114], sizes = [4, 12656], strides = [1, 1]} : vector<4x12800xf32> to vector<4x12656xf32>
    %get3A_35 = arith.constant 3 : index
    %get3A_36 = arith.constant 0 : index
    %get3A_37 = arith.constant 0 : index
    %get3A_38 = vector.load %arg2[%get3A_35, %get3A_36, %get3A_37] : memref<4x16x4xf32, #tpu.memory_space<vmem>>, vector<1x16x4xf32>
    %get3A_39 = vector.shape_cast %get3A_38 : vector<1x16x4xf32> to vector<16x4xf32>
    %convert_element_type3A_40 = arith.truncf %get3A_39 : vector<16x4xf32> to vector<16x4xbf16>
    %convert_element_type3A_41 = arith.truncf %slice3A_34 : vector<4x12656xf32> to vector<4x12656xbf16>
    %dot_general3A_42 = arith.constant dense<0.000000e+00> : vector<16x12656xf32>
    %dot_general3A_43 = tpu.matmul %convert_element_type3A_40, %convert_element_type3A_41, %dot_general3A_42 {dimension_numbers = #tpu.dot_dimension_numbers<[1], [0], [0], [1], [0, 0, 1, 1], [], []>, transpose_lhs_hint = false} : vector<16x4xbf16>, vector<4x12656xbf16>, vector<16x12656xf32> -> vector<16x12656xf32>
    %add3A_44 = arith.addf %add3A_33, %dot_general3A_43 : vector<16x12656xf32>
    %get3A_45 = arith.constant 0 : index
    %get3A_46 = arith.constant 0 : index
    %get3A_47 = vector.load %arg3[%get3A_45, %get3A_46] : memref<16x1xf32, #tpu.memory_space<vmem>>, vector<16x1xf32>
    %add3A_48 = vector.broadcast %get3A_47 : vector<16x1xf32> to vector<16x12656xf32>
    %add3A_49 = arith.addf %add3A_44, %add3A_48 : vector<16x12656xf32>
    %swap3A = arith.constant 0 : index
    %swap3A_50 = arith.constant 0 : index
    %swap3A_51 = arith.constant 0 : index
    %swap3A_52 = vector.load %arg5[%swap3A, %swap3A_50, %swap3A_51] : memref<1x16x12656xf32, #tpu.memory_space<vmem>>, vector<1x16x12656xf32>
    %swap3A_53 = vector.shape_cast %swap3A_52 : vector<1x16x12656xf32> to vector<16x12656xf32>
    %swap3A_54 = vector.shape_cast %add3A_49 : vector<16x12656xf32> to vector<1x16x12656xf32>
    tpu.vector_store %arg5[%swap3A, %swap3A_50, %swap3A_51], %swap3A_54 {strides = array<i32>} : memref<1x16x12656xf32, #tpu.memory_space<vmem>>, vector<1x16x12656xf32>,
    %get3A_55 = arith.constant 0 : index
    %get3A_56 = arith.constant 0 : index
    %get3A_57 = vector.load %arg4[%get3A_55, %get3A_56] : memref<1x12656xf32, #tpu.memory_space<vmem>>, vector<1x12656xf32>
    %mul3A = vector.broadcast %get3A_57 : vector<1x12656xf32> to vector<16x12656xf32>
    %mul3A_58 = arith.mulf %add3A_49, %mul3A : vector<16x12656xf32>
    %reduce_sum3A = arith.constant dense<0.000000e+00> : vector<16xf32>
    %reduce_sum3A_59 = vector.multi_reduction <add>, %mul3A_58, %reduce_sum3A [1] : vector<16x12656xf32> to vector<16xf32>
    %broadcast_in_dim3A_60 = vector.shape_cast %reduce_sum3A_59 : vector<16xf32> to vector<16x1xf32>
    %mul3A_61 = arith.mulf %mul3A_58, %mul3A_58 : vector<16x12656xf32>
    %reduce_sum3A_62 = arith.constant dense<0.000000e+00> : vector<16xf32>
    %reduce_sum3A_63 = vector.multi_reduction <add>, %mul3A_61, %reduce_sum3A_62 [1] : vector<16x12656xf32> to vector<16xf32>
    %broadcast_in_dim3A_64 = vector.shape_cast %reduce_sum3A_63 : vector<16xf32> to vector<16x1xf32>
    %iota3A = tpu.iota {dimensions = array<i32: 1>} : vector<16x128xi32>
    %broadcast_in_dim3A_65 = arith.constant 0.000000e+00 : f32
    %broadcast_in_dim3A_66 = vector.broadcast %broadcast_in_dim3A_65 : f32 to vector<16x128xf32>
    %eq3A = arith.constant 0 : i32
    %eq3A_67 = vector.broadcast %eq3A : i32 to vector<16x128xi32>
    %eq3A_68 = arith.cmpi eq, %iota3A, %eq3A_67 : vector<16x128xi32>
    %broadcast_in_dim3A_69 = vector.shape_cast %broadcast_in_dim3A_60 : vector<16x1xf32> to vector<16x1xf32>
    %broadcast_in_dim3A_70 = vector.broadcast %broadcast_in_dim3A_69 : vector<16x1xf32> to vector<16x128xf32>
    %select_n3A = arith.select %eq3A_68, %broadcast_in_dim3A_70, %broadcast_in_dim3A_66 : vector<16x128xi1>, vector<16x128xf32>
    %eq3A_71 = arith.constant 1 : i32
    %eq3A_72 = vector.broadcast %eq3A_71 : i32 to vector<16x128xi32>
    %eq3A_73 = arith.cmpi eq, %iota3A, %eq3A_72 : vector<16x128xi32>
    %broadcast_in_dim3A_74 = vector.shape_cast %broadcast_in_dim3A_64 : vector<16x1xf32> to vector<16x1xf32>
    %broadcast_in_dim3A_75 = vector.broadcast %broadcast_in_dim3A_74 : vector<16x1xf32> to vector<16x128xf32>
    %select_n3A_76 = arith.select %eq3A_73, %broadcast_in_dim3A_75, %broadcast_in_dim3A_66 : vector<16x128xi1>, vector<16x128xf32>
    %add3A_77 = arith.addf %select_n3A, %select_n3A_76 : vector<16x128xf32>
    %eq3A_78 = arith.constant 0 : i32
    %eq3A_79 = arith.cmpi eq, %arg0, %eq3A_78 : i32
    %convert_element_type3A_80 = arith.extui %eq3A_79 : i1 to i32
    %cond3A = arith.constant 0 : i32
    %cond3A_81 = arith.cmpi ne, %convert_element_type3A_80, %cond3A : i32
    scf.if %cond3A_81 {
      %swap3A_86 = arith.constant 0 : index
      %swap3A_87 = arith.constant 0 : index
      %swap3A_88 = vector.load %arg6[%swap3A_86, %swap3A_87] : memref<16x128xf32, #tpu.memory_space<vmem>>, vector<16x128xf32>
      tpu.vector_store %arg6[%swap3A_86, %swap3A_87], %add3A_77 {strides = array<i32>} : memref<16x128xf32, #tpu.memory_space<vmem>>, vector<16x128xf32>,
    } else {
    }
    %ne3A = arith.constant 0 : i32
    %ne3A_82 = arith.cmpi ne, %arg0, %ne3A : i32
    %convert_element_type3A_83 = arith.extui %ne3A_82 : i1 to i32
    %cond3A_84 = arith.constant 0 : i32
    %cond3A_85 = arith.cmpi ne, %convert_element_type3A_83, %cond3A_84 : i32
    scf.if %cond3A_85 {
      %get3A_86 = arith.constant 0 : index
      %get3A_87 = arith.constant 0 : index
      %get3A_88 = vector.load %arg6[%get3A_86, %get3A_87] : memref<16x128xf32, #tpu.memory_space<vmem>>, vector<16x128xf32>
      %add3A_89 = arith.addf %get3A_88, %add3A_77 : vector<16x128xf32>
      %swap3A_90 = arith.constant 0 : index
      %swap3A_91 = arith.constant 0 : index
      %swap3A_92 = vector.load %arg6[%swap3A_90, %swap3A_91] : memref<16x128xf32, #tpu.memory_space<vmem>>, vector<16x128xf32>
      tpu.vector_store %arg6[%swap3A_90, %swap3A_91], %add3A_89 {strides = array<i32>} : memref<16x128xf32, #tpu.memory_space<vmem>>, vector<16x128xf32>,
    } else {
    }
    return
  }
  func.func @transform_0(%arg0: i32) -> (i32, i32, i32) {
    %c0_i32 = arith.constant 0 : i32
    %c0_i32_0 = arith.constant 0 : i32
    %c0_i32_1 = arith.constant 0 : i32
    return %arg0, %c0_i32, %c0_i32_0 : i32, i32, i32
  }
  func.func @transform_1(%arg0: i32) -> (i32, i32, i32) {
    %c0_i32 = arith.constant 0 : i32
    %c0_i32_0 = arith.constant 0 : i32
    %c0_i32_1 = arith.constant 0 : i32
    %c0_i32_2 = arith.constant 0 : i32
    return %c0_i32, %c0_i32_0, %c0_i32_1 : i32, i32, i32
  }
  func.func @transform_2(%arg0: i32) -> (i32, i32) {
    %c0_i32 = arith.constant 0 : i32
    %c0_i32_0 = arith.constant 0 : i32
    %c0_i32_1 = arith.constant 0 : i32
    return %c0_i32, %c0_i32_0 : i32, i32
  }
  func.func @transform_3(%arg0: i32) -> (i32, i32) {
    %c0_i32 = arith.constant 0 : i32
    %c0_i32_0 = arith.constant 0 : i32
    %c0_i32_1 = arith.constant 0 : i32
    return %c0_i32, %c0_i32_0 : i32, i32
  }
  func.func @transform_4(%arg0: i32) -> (i32, i32, i32) {
    %c0_i32 = arith.constant 0 : i32
    %c0_i32_0 = arith.constant 0 : i32
    %c0_i32_1 = arith.constant 0 : i32
    return %arg0, %c0_i32, %c0_i32_0 : i32, i32, i32
  }
  func.func @transform_5(%arg0: i32) -> (i32, i32) {
    %c0_i32 = arith.constant 0 : i32
    %c0_i32_0 = arith.constant 0 : i32
    %c0_i32_1 = arith.constant 0 : i32
    return %c0_i32, %c0_i32_0 : i32, i32
  }
}

module attributes {stable_mosaic.version = 14 : i64} {
  func.func @_k2_body(%arg0: i32, %arg1: memref<1x4x16x3328xf32, #tpu.memory_space<vmem>>, %arg2: memref<16x1xf32, #tpu.memory_space<vmem>>, %arg3: memref<16x1xf32, #tpu.memory_space<vmem>>, %arg4: memref<4x1x3328xf32, #tpu.memory_space<vmem>>, %arg5: memref<4x32x64xf32, #tpu.memory_space<vmem>>, %arg6: memref<32x1xf32, #tpu.memory_space<vmem>>, %arg7: memref<1x3192xf32, #tpu.memory_space<vmem>>, %arg8: memref<1x32x3192xf32, #tpu.memory_space<vmem>>, %arg9: memref<32x128xf32, #tpu.memory_space<vmem>>) attributes {dimension_semantics = [#tpu.dimension_semantics<arbitrary>], iteration_bounds = array<i64: 8>, scalar_prefetch = 0 : i64, scratch_operands = 0 : i64, tpu.core_type = #tpu.core_type<tc>, window_params = [{transform_indices = @transform_0, window_bounds = array<i64: 1, 4, 16, 3328>}, {pipeline_mode = #tpu.pipeline_mode<synchronous>, transform_indices = @transform_1, window_bounds = array<i64: 16, 1>}, {pipeline_mode = #tpu.pipeline_mode<synchronous>, transform_indices = @transform_2, window_bounds = array<i64: 16, 1>}, {pipeline_mode = #tpu.pipeline_mode<synchronous>, transform_indices = @transform_3, window_bounds = array<i64: 4, 1, 3328>}, {pipeline_mode = #tpu.pipeline_mode<synchronous>, transform_indices = @transform_4, window_bounds = array<i64: 4, 32, 64>}, {pipeline_mode = #tpu.pipeline_mode<synchronous>, transform_indices = @transform_5, window_bounds = array<i64: 32, 1>}, {pipeline_mode = #tpu.pipeline_mode<synchronous>, transform_indices = @transform_6, window_bounds = array<i64: 1, 3192>}, {transform_indices = @transform_7, window_bounds = array<i64: 1, 32, 3192>}, {pipeline_mode = #tpu.pipeline_mode<synchronous>, transform_indices = @transform_8, window_bounds = array<i64: 32, 128>}]} {
    %get3A = arith.constant 0 : index
    %get3A_0 = arith.constant 0 : index
    %get3A_1 = arith.constant 0 : index
    %get3A_2 = arith.constant 0 : index
    %get3A_3 = vector.load %arg1[%get3A, %get3A_0, %get3A_1, %get3A_2] : memref<1x4x16x3328xf32, #tpu.memory_space<vmem>>, vector<1x4x16x3328xf32>
    %get3A_4 = vector.shape_cast %get3A_3 : vector<1x4x16x3328xf32> to vector<4x16x3328xf32>
    %get3A_5 = arith.constant 0 : index
    %get3A_6 = arith.constant 0 : index
    %get3A_7 = vector.load %arg2[%get3A_5, %get3A_6] : memref<16x1xf32, #tpu.memory_space<vmem>>, vector<16x1xf32>
    %get3A_8 = arith.constant 0 : index
    %get3A_9 = arith.constant 0 : index
    %get3A_10 = vector.load %arg3[%get3A_8, %get3A_9] : memref<16x1xf32, #tpu.memory_space<vmem>>, vector<16x1xf32>
    %slice3A = vector.extract_strided_slice %get3A_4 {offsets = [0, 0, 0], sizes = [1, 16, 3328], strides = [1, 1, 1]} : vector<4x16x3328xf32> to vector<1x16x3328xf32>
    %squeeze3A = vector.shape_cast %slice3A : vector<1x16x3328xf32> to vector<16x3328xf32>
    %mul3A = vector.broadcast %get3A_7 : vector<16x1xf32> to vector<16x3328xf32>
    %mul3A_11 = arith.mulf %squeeze3A, %mul3A : vector<16x3328xf32>
    %add3A = vector.broadcast %get3A_10 : vector<16x1xf32> to vector<16x3328xf32>
    %add3A_12 = arith.addf %mul3A_11, %add3A : vector<16x3328xf32>
    %max3A = arith.constant 0.000000e+00 : f32
    %max3A_13 = vector.broadcast %max3A : f32 to vector<16x3328xf32>
    %max3A_14 = arith.maximumf %add3A_12, %max3A_13 : vector<16x3328xf32>
    %get3A_15 = arith.constant 0 : index
    %get3A_16 = arith.constant 0 : index
    %get3A_17 = arith.constant 0 : index
    %get3A_18 = vector.load %arg4[%get3A_15, %get3A_16, %get3A_17] : memref<4x1x3328xf32, #tpu.memory_space<vmem>>, vector<1x1x3328xf32>
    %get3A_19 = vector.shape_cast %get3A_18 : vector<1x1x3328xf32> to vector<1x3328xf32>
    %mul3A_20 = vector.broadcast %get3A_19 : vector<1x3328xf32> to vector<16x3328xf32>
    %mul3A_21 = arith.mulf %max3A_14, %mul3A_20 : vector<16x3328xf32>
    %slice3A_22 = vector.extract_strided_slice %get3A_4 {offsets = [1, 0, 0], sizes = [1, 16, 3328], strides = [1, 1, 1]} : vector<4x16x3328xf32> to vector<1x16x3328xf32>
    %squeeze3A_23 = vector.shape_cast %slice3A_22 : vector<1x16x3328xf32> to vector<16x3328xf32>
    %mul3A_24 = vector.broadcast %get3A_7 : vector<16x1xf32> to vector<16x3328xf32>
    %mul3A_25 = arith.mulf %squeeze3A_23, %mul3A_24 : vector<16x3328xf32>
    %add3A_26 = vector.broadcast %get3A_10 : vector<16x1xf32> to vector<16x3328xf32>
    %add3A_27 = arith.addf %mul3A_25, %add3A_26 : vector<16x3328xf32>
    %max3A_28 = arith.constant 0.000000e+00 : f32
    %max3A_29 = vector.broadcast %max3A_28 : f32 to vector<16x3328xf32>
    %max3A_30 = arith.maximumf %add3A_27, %max3A_29 : vector<16x3328xf32>
    %get3A_31 = arith.constant 1 : index
    %get3A_32 = arith.constant 0 : index
    %get3A_33 = arith.constant 0 : index
    %get3A_34 = vector.load %arg4[%get3A_31, %get3A_32, %get3A_33] : memref<4x1x3328xf32, #tpu.memory_space<vmem>>, vector<1x1x3328xf32>
    %get3A_35 = vector.shape_cast %get3A_34 : vector<1x1x3328xf32> to vector<1x3328xf32>
    %mul3A_36 = vector.broadcast %get3A_35 : vector<1x3328xf32> to vector<16x3328xf32>
    %mul3A_37 = arith.mulf %max3A_30, %mul3A_36 : vector<16x3328xf32>
    %slice3A_38 = vector.extract_strided_slice %get3A_4 {offsets = [2, 0, 0], sizes = [1, 16, 3328], strides = [1, 1, 1]} : vector<4x16x3328xf32> to vector<1x16x3328xf32>
    %squeeze3A_39 = vector.shape_cast %slice3A_38 : vector<1x16x3328xf32> to vector<16x3328xf32>
    %mul3A_40 = vector.broadcast %get3A_7 : vector<16x1xf32> to vector<16x3328xf32>
    %mul3A_41 = arith.mulf %squeeze3A_39, %mul3A_40 : vector<16x3328xf32>
    %add3A_42 = vector.broadcast %get3A_10 : vector<16x1xf32> to vector<16x3328xf32>
    %add3A_43 = arith.addf %mul3A_41, %add3A_42 : vector<16x3328xf32>
    %max3A_44 = arith.constant 0.000000e+00 : f32
    %max3A_45 = vector.broadcast %max3A_44 : f32 to vector<16x3328xf32>
    %max3A_46 = arith.maximumf %add3A_43, %max3A_45 : vector<16x3328xf32>
    %get3A_47 = arith.constant 2 : index
    %get3A_48 = arith.constant 0 : index
    %get3A_49 = arith.constant 0 : index
    %get3A_50 = vector.load %arg4[%get3A_47, %get3A_48, %get3A_49] : memref<4x1x3328xf32, #tpu.memory_space<vmem>>, vector<1x1x3328xf32>
    %get3A_51 = vector.shape_cast %get3A_50 : vector<1x1x3328xf32> to vector<1x3328xf32>
    %mul3A_52 = vector.broadcast %get3A_51 : vector<1x3328xf32> to vector<16x3328xf32>
    %mul3A_53 = arith.mulf %max3A_46, %mul3A_52 : vector<16x3328xf32>
    %slice3A_54 = vector.extract_strided_slice %get3A_4 {offsets = [3, 0, 0], sizes = [1, 16, 3328], strides = [1, 1, 1]} : vector<4x16x3328xf32> to vector<1x16x3328xf32>
    %squeeze3A_55 = vector.shape_cast %slice3A_54 : vector<1x16x3328xf32> to vector<16x3328xf32>
    %mul3A_56 = vector.broadcast %get3A_7 : vector<16x1xf32> to vector<16x3328xf32>
    %mul3A_57 = arith.mulf %squeeze3A_55, %mul3A_56 : vector<16x3328xf32>
    %add3A_58 = vector.broadcast %get3A_10 : vector<16x1xf32> to vector<16x3328xf32>
    %add3A_59 = arith.addf %mul3A_57, %add3A_58 : vector<16x3328xf32>
    %max3A_60 = arith.constant 0.000000e+00 : f32
    %max3A_61 = vector.broadcast %max3A_60 : f32 to vector<16x3328xf32>
    %max3A_62 = arith.maximumf %add3A_59, %max3A_61 : vector<16x3328xf32>
    %get3A_63 = arith.constant 3 : index
    %get3A_64 = arith.constant 0 : index
    %get3A_65 = arith.constant 0 : index
    %get3A_66 = vector.load %arg4[%get3A_63, %get3A_64, %get3A_65] : memref<4x1x3328xf32, #tpu.memory_space<vmem>>, vector<1x1x3328xf32>
    %get3A_67 = vector.shape_cast %get3A_66 : vector<1x1x3328xf32> to vector<1x3328xf32>
    %mul3A_68 = vector.broadcast %get3A_67 : vector<1x3328xf32> to vector<16x3328xf32>
    %mul3A_69 = arith.mulf %max3A_62, %mul3A_68 : vector<16x3328xf32>
    %concatenate3A = tpu.concatenate %mul3A_21, %mul3A_37, %mul3A_53, %mul3A_69 in 0 : vector<16x3328xf32>, vector<16x3328xf32>, vector<16x3328xf32>, vector<16x3328xf32> -> vector<64x3328xf32>
    %broadcast_in_dim3A = arith.constant 0.000000e+00 : f32
    %broadcast_in_dim3A_70 = vector.broadcast %broadcast_in_dim3A : f32 to vector<32x3192xf32>
    %slice3A_71 = vector.extract_strided_slice %concatenate3A {offsets = [0, 0], sizes = [64, 3192], strides = [1, 1]} : vector<64x3328xf32> to vector<64x3192xf32>
    %get3A_72 = arith.constant 0 : index
    %get3A_73 = arith.constant 0 : index
    %get3A_74 = arith.constant 0 : index
    %get3A_75 = vector.load %arg5[%get3A_72, %get3A_73, %get3A_74] : memref<4x32x64xf32, #tpu.memory_space<vmem>>, vector<1x32x64xf32>
    %get3A_76 = vector.shape_cast %get3A_75 : vector<1x32x64xf32> to vector<32x64xf32>
    %convert_element_type3A = arith.truncf %get3A_76 : vector<32x64xf32> to vector<32x64xbf16>
    %convert_element_type3A_77 = arith.truncf %slice3A_71 : vector<64x3192xf32> to vector<64x3192xbf16>
    %dot_general3A = arith.constant dense<0.000000e+00> : vector<32x3192xf32>
    %dot_general3A_78 = tpu.matmul %convert_element_type3A, %convert_element_type3A_77, %dot_general3A {dimension_numbers = #tpu.dot_dimension_numbers<[1], [0], [0], [1], [0, 0, 1, 1], [], []>, transpose_lhs_hint = false} : vector<32x64xbf16>, vector<64x3192xbf16>, vector<32x3192xf32> -> vector<32x3192xf32>
    %add3A_79 = arith.addf %broadcast_in_dim3A_70, %dot_general3A_78 : vector<32x3192xf32>
    %slice3A_80 = vector.extract_strided_slice %concatenate3A {offsets = [0, 1], sizes = [64, 3192], strides = [1, 1]} : vector<64x3328xf32> to vector<64x3192xf32>
    %get3A_81 = arith.constant 1 : index
    %get3A_82 = arith.constant 0 : index
    %get3A_83 = arith.constant 0 : index
    %get3A_84 = vector.load %arg5[%get3A_81, %get3A_82, %get3A_83] : memref<4x32x64xf32, #tpu.memory_space<vmem>>, vector<1x32x64xf32>
    %get3A_85 = vector.shape_cast %get3A_84 : vector<1x32x64xf32> to vector<32x64xf32>
    %convert_element_type3A_86 = arith.truncf %get3A_85 : vector<32x64xf32> to vector<32x64xbf16>
    %convert_element_type3A_87 = arith.truncf %slice3A_80 : vector<64x3192xf32> to vector<64x3192xbf16>
    %dot_general3A_88 = arith.constant dense<0.000000e+00> : vector<32x3192xf32>
    %dot_general3A_89 = tpu.matmul %convert_element_type3A_86, %convert_element_type3A_87, %dot_general3A_88 {dimension_numbers = #tpu.dot_dimension_numbers<[1], [0], [0], [1], [0, 0, 1, 1], [], []>, transpose_lhs_hint = false} : vector<32x64xbf16>, vector<64x3192xbf16>, vector<32x3192xf32> -> vector<32x3192xf32>
    %add3A_90 = arith.addf %add3A_79, %dot_general3A_89 : vector<32x3192xf32>
    %slice3A_91 = vector.extract_strided_slice %concatenate3A {offsets = [0, 57], sizes = [64, 3192], strides = [1, 1]} : vector<64x3328xf32> to vector<64x3192xf32>
    %get3A_92 = arith.constant 2 : index
    %get3A_93 = arith.constant 0 : index
    %get3A_94 = arith.constant 0 : index
    %get3A_95 = vector.load %arg5[%get3A_92, %get3A_93, %get3A_94] : memref<4x32x64xf32, #tpu.memory_space<vmem>>, vector<1x32x64xf32>
    %get3A_96 = vector.shape_cast %get3A_95 : vector<1x32x64xf32> to vector<32x64xf32>
    %convert_element_type3A_97 = arith.truncf %get3A_96 : vector<32x64xf32> to vector<32x64xbf16>
    %convert_element_type3A_98 = arith.truncf %slice3A_91 : vector<64x3192xf32> to vector<64x3192xbf16>
    %dot_general3A_99 = arith.constant dense<0.000000e+00> : vector<32x3192xf32>
    %dot_general3A_100 = tpu.matmul %convert_element_type3A_97, %convert_element_type3A_98, %dot_general3A_99 {dimension_numbers = #tpu.dot_dimension_numbers<[1], [0], [0], [1], [0, 0, 1, 1], [], []>, transpose_lhs_hint = false} : vector<32x64xbf16>, vector<64x3192xbf16>, vector<32x3192xf32> -> vector<32x3192xf32>
    %add3A_101 = arith.addf %add3A_90, %dot_general3A_100 : vector<32x3192xf32>
    %slice3A_102 = vector.extract_strided_slice %concatenate3A {offsets = [0, 58], sizes = [64, 3192], strides = [1, 1]} : vector<64x3328xf32> to vector<64x3192xf32>
    %get3A_103 = arith.constant 3 : index
    %get3A_104 = arith.constant 0 : index
    %get3A_105 = arith.constant 0 : index
    %get3A_106 = vector.load %arg5[%get3A_103, %get3A_104, %get3A_105] : memref<4x32x64xf32, #tpu.memory_space<vmem>>, vector<1x32x64xf32>
    %get3A_107 = vector.shape_cast %get3A_106 : vector<1x32x64xf32> to vector<32x64xf32>
    %convert_element_type3A_108 = arith.truncf %get3A_107 : vector<32x64xf32> to vector<32x64xbf16>
    %convert_element_type3A_109 = arith.truncf %slice3A_102 : vector<64x3192xf32> to vector<64x3192xbf16>
    %dot_general3A_110 = arith.constant dense<0.000000e+00> : vector<32x3192xf32>
    %dot_general3A_111 = tpu.matmul %convert_element_type3A_108, %convert_element_type3A_109, %dot_general3A_110 {dimension_numbers = #tpu.dot_dimension_numbers<[1], [0], [0], [1], [0, 0, 1, 1], [], []>, transpose_lhs_hint = false} : vector<32x64xbf16>, vector<64x3192xbf16>, vector<32x3192xf32> -> vector<32x3192xf32>
    %add3A_112 = arith.addf %add3A_101, %dot_general3A_111 : vector<32x3192xf32>
    %get3A_113 = arith.constant 0 : index
    %get3A_114 = arith.constant 0 : index
    %get3A_115 = vector.load %arg6[%get3A_113, %get3A_114] : memref<32x1xf32, #tpu.memory_space<vmem>>, vector<32x1xf32>
    %add3A_116 = vector.broadcast %get3A_115 : vector<32x1xf32> to vector<32x3192xf32>
    %add3A_117 = arith.addf %add3A_112, %add3A_116 : vector<32x3192xf32>
    %swap3A = arith.constant 0 : index
    %swap3A_118 = arith.constant 0 : index
    %swap3A_119 = arith.constant 0 : index
    %swap3A_120 = vector.load %arg8[%swap3A, %swap3A_118, %swap3A_119] : memref<1x32x3192xf32, #tpu.memory_space<vmem>>, vector<1x32x3192xf32>
    %swap3A_121 = vector.shape_cast %swap3A_120 : vector<1x32x3192xf32> to vector<32x3192xf32>
    %swap3A_122 = vector.shape_cast %add3A_117 : vector<32x3192xf32> to vector<1x32x3192xf32>
    tpu.vector_store %arg8[%swap3A, %swap3A_118, %swap3A_119], %swap3A_122 {strides = array<i32>} : memref<1x32x3192xf32, #tpu.memory_space<vmem>>, vector<1x32x3192xf32>,
    %get3A_123 = arith.constant 0 : index
    %get3A_124 = arith.constant 0 : index
    %get3A_125 = vector.load %arg7[%get3A_123, %get3A_124] : memref<1x3192xf32, #tpu.memory_space<vmem>>, vector<1x3192xf32>
    %mul3A_126 = vector.broadcast %get3A_125 : vector<1x3192xf32> to vector<32x3192xf32>
    %mul3A_127 = arith.mulf %add3A_117, %mul3A_126 : vector<32x3192xf32>
    %reduce_sum3A = arith.constant dense<0.000000e+00> : vector<32xf32>
    %reduce_sum3A_128 = vector.multi_reduction <add>, %mul3A_127, %reduce_sum3A [1] : vector<32x3192xf32> to vector<32xf32>
    %broadcast_in_dim3A_129 = vector.shape_cast %reduce_sum3A_128 : vector<32xf32> to vector<32x1xf32>
    %mul3A_130 = arith.mulf %mul3A_127, %mul3A_127 : vector<32x3192xf32>
    %reduce_sum3A_131 = arith.constant dense<0.000000e+00> : vector<32xf32>
    %reduce_sum3A_132 = vector.multi_reduction <add>, %mul3A_130, %reduce_sum3A_131 [1] : vector<32x3192xf32> to vector<32xf32>
    %broadcast_in_dim3A_133 = vector.shape_cast %reduce_sum3A_132 : vector<32xf32> to vector<32x1xf32>
    %iota3A = tpu.iota {dimensions = array<i32: 1>} : vector<32x128xi32>
    %broadcast_in_dim3A_134 = arith.constant 0.000000e+00 : f32
    %broadcast_in_dim3A_135 = vector.broadcast %broadcast_in_dim3A_134 : f32 to vector<32x128xf32>
    %eq3A = arith.constant 0 : i32
    %eq3A_136 = vector.broadcast %eq3A : i32 to vector<32x128xi32>
    %eq3A_137 = arith.cmpi eq, %iota3A, %eq3A_136 : vector<32x128xi32>
    %broadcast_in_dim3A_138 = vector.shape_cast %broadcast_in_dim3A_129 : vector<32x1xf32> to vector<32x1xf32>
    %broadcast_in_dim3A_139 = vector.broadcast %broadcast_in_dim3A_138 : vector<32x1xf32> to vector<32x128xf32>
    %select_n3A = arith.select %eq3A_137, %broadcast_in_dim3A_139, %broadcast_in_dim3A_135 : vector<32x128xi1>, vector<32x128xf32>
    %eq3A_140 = arith.constant 1 : i32
    %eq3A_141 = vector.broadcast %eq3A_140 : i32 to vector<32x128xi32>
    %eq3A_142 = arith.cmpi eq, %iota3A, %eq3A_141 : vector<32x128xi32>
    %broadcast_in_dim3A_143 = vector.shape_cast %broadcast_in_dim3A_133 : vector<32x1xf32> to vector<32x1xf32>
    %broadcast_in_dim3A_144 = vector.broadcast %broadcast_in_dim3A_143 : vector<32x1xf32> to vector<32x128xf32>
    %select_n3A_145 = arith.select %eq3A_142, %broadcast_in_dim3A_144, %broadcast_in_dim3A_135 : vector<32x128xi1>, vector<32x128xf32>
    %add3A_146 = arith.addf %select_n3A, %select_n3A_145 : vector<32x128xf32>
    %eq3A_147 = arith.constant 0 : i32
    %eq3A_148 = arith.cmpi eq, %arg0, %eq3A_147 : i32
    %convert_element_type3A_149 = arith.extui %eq3A_148 : i1 to i32
    %cond3A = arith.constant 0 : i32
    %cond3A_150 = arith.cmpi ne, %convert_element_type3A_149, %cond3A : i32
    scf.if %cond3A_150 {
      %swap3A_155 = arith.constant 0 : index
      %swap3A_156 = arith.constant 0 : index
      %swap3A_157 = vector.load %arg9[%swap3A_155, %swap3A_156] : memref<32x128xf32, #tpu.memory_space<vmem>>, vector<32x128xf32>
      tpu.vector_store %arg9[%swap3A_155, %swap3A_156], %add3A_146 {strides = array<i32>} : memref<32x128xf32, #tpu.memory_space<vmem>>, vector<32x128xf32>,
    } else {
    }
    %ne3A = arith.constant 0 : i32
    %ne3A_151 = arith.cmpi ne, %arg0, %ne3A : i32
    %convert_element_type3A_152 = arith.extui %ne3A_151 : i1 to i32
    %cond3A_153 = arith.constant 0 : i32
    %cond3A_154 = arith.cmpi ne, %convert_element_type3A_152, %cond3A_153 : i32
    scf.if %cond3A_154 {
      %get3A_155 = arith.constant 0 : index
      %get3A_156 = arith.constant 0 : index
      %get3A_157 = vector.load %arg9[%get3A_155, %get3A_156] : memref<32x128xf32, #tpu.memory_space<vmem>>, vector<32x128xf32>
      %add3A_158 = arith.addf %get3A_157, %add3A_146 : vector<32x128xf32>
      %swap3A_159 = arith.constant 0 : index
      %swap3A_160 = arith.constant 0 : index
      %swap3A_161 = vector.load %arg9[%swap3A_159, %swap3A_160] : memref<32x128xf32, #tpu.memory_space<vmem>>, vector<32x128xf32>
      tpu.vector_store %arg9[%swap3A_159, %swap3A_160], %add3A_158 {strides = array<i32>} : memref<32x128xf32, #tpu.memory_space<vmem>>, vector<32x128xf32>,
    } else {
    }
    return
  }
  func.func @transform_0(%arg0: i32) -> (i32, i32, i32, i32) {
    %c0_i32 = arith.constant 0 : i32
    %c0_i32_0 = arith.constant 0 : i32
    %c0_i32_1 = arith.constant 0 : i32
    %c0_i32_2 = arith.constant 0 : i32
    return %arg0, %c0_i32, %c0_i32_0, %c0_i32_1 : i32, i32, i32, i32
  }
  func.func @transform_1(%arg0: i32) -> (i32, i32) {
    %c0_i32 = arith.constant 0 : i32
    %c0_i32_0 = arith.constant 0 : i32
    %c0_i32_1 = arith.constant 0 : i32
    return %c0_i32, %c0_i32_0 : i32, i32
  }
  func.func @transform_2(%arg0: i32) -> (i32, i32) {
    %c0_i32 = arith.constant 0 : i32
    %c0_i32_0 = arith.constant 0 : i32
    %c0_i32_1 = arith.constant 0 : i32
    return %c0_i32, %c0_i32_0 : i32, i32
  }
  func.func @transform_3(%arg0: i32) -> (i32, i32, i32) {
    %c0_i32 = arith.constant 0 : i32
    %c0_i32_0 = arith.constant 0 : i32
    %c0_i32_1 = arith.constant 0 : i32
    %c0_i32_2 = arith.constant 0 : i32
    return %c0_i32, %c0_i32_0, %c0_i32_1 : i32, i32, i32
  }
  func.func @transform_4(%arg0: i32) -> (i32, i32, i32) {
    %c0_i32 = arith.constant 0 : i32
    %c0_i32_0 = arith.constant 0 : i32
    %c0_i32_1 = arith.constant 0 : i32
    %c0_i32_2 = arith.constant 0 : i32
    return %c0_i32, %c0_i32_0, %c0_i32_1 : i32, i32, i32
  }
  func.func @transform_5(%arg0: i32) -> (i32, i32) {
    %c0_i32 = arith.constant 0 : i32
    %c0_i32_0 = arith.constant 0 : i32
    %c0_i32_1 = arith.constant 0 : i32
    return %c0_i32, %c0_i32_0 : i32, i32
  }
  func.func @transform_6(%arg0: i32) -> (i32, i32) {
    %c0_i32 = arith.constant 0 : i32
    %c0_i32_0 = arith.constant 0 : i32
    %c0_i32_1 = arith.constant 0 : i32
    return %c0_i32, %c0_i32_0 : i32, i32
  }
  func.func @transform_7(%arg0: i32) -> (i32, i32, i32) {
    %c0_i32 = arith.constant 0 : i32
    %c0_i32_0 = arith.constant 0 : i32
    %c0_i32_1 = arith.constant 0 : i32
    return %arg0, %c0_i32, %c0_i32_0 : i32, i32, i32
  }
  func.func @transform_8(%arg0: i32) -> (i32, i32) {
    %c0_i32 = arith.constant 0 : i32
    %c0_i32_0 = arith.constant 0 : i32
    %c0_i32_1 = arith.constant 0 : i32
    return %c0_i32, %c0_i32_0 : i32, i32
  }
}

module attributes {stable_mosaic.version = 14 : i64} {
  func.func @_k3_body(%arg0: i32, %arg1: memref<1x32x3192xf32, #tpu.memory_space<vmem>>, %arg2: memref<32x1xf32, #tpu.memory_space<vmem>>, %arg3: memref<32x1xf32, #tpu.memory_space<vmem>>, %arg4: memref<32x32xf32, #tpu.memory_space<vmem>>, %arg5: memref<32x1xf32, #tpu.memory_space<vmem>>, %arg6: memref<1x3192xf32, #tpu.memory_space<vmem>>, %arg7: memref<1x32x3192xf32, #tpu.memory_space<vmem>>, %arg8: memref<32x128xf32, #tpu.memory_space<vmem>>) attributes {dimension_semantics = [#tpu.dimension_semantics<arbitrary>], iteration_bounds = array<i64: 8>, scalar_prefetch = 0 : i64, scratch_operands = 0 : i64, tpu.core_type = #tpu.core_type<tc>, window_params = [{transform_indices = @transform_0, window_bounds = array<i64: 1, 32, 3192>}, {pipeline_mode = #tpu.pipeline_mode<synchronous>, transform_indices = @transform_1, window_bounds = array<i64: 32, 1>}, {pipeline_mode = #tpu.pipeline_mode<synchronous>, transform_indices = @transform_2, window_bounds = array<i64: 32, 1>}, {pipeline_mode = #tpu.pipeline_mode<synchronous>, transform_indices = @transform_3, window_bounds = array<i64: 32, 32>}, {pipeline_mode = #tpu.pipeline_mode<synchronous>, transform_indices = @transform_4, window_bounds = array<i64: 32, 1>}, {pipeline_mode = #tpu.pipeline_mode<synchronous>, transform_indices = @transform_5, window_bounds = array<i64: 1, 3192>}, {transform_indices = @transform_6, window_bounds = array<i64: 1, 32, 3192>}, {pipeline_mode = #tpu.pipeline_mode<synchronous>, transform_indices = @transform_7, window_bounds = array<i64: 32, 128>}]} {
    %get3A = arith.constant 0 : index
    %get3A_0 = arith.constant 0 : index
    %get3A_1 = arith.constant 0 : index
    %get3A_2 = vector.load %arg1[%get3A, %get3A_0, %get3A_1] : memref<1x32x3192xf32, #tpu.memory_space<vmem>>, vector<1x32x3192xf32>
    %get3A_3 = vector.shape_cast %get3A_2 : vector<1x32x3192xf32> to vector<32x3192xf32>
    %get3A_4 = arith.constant 0 : index
    %get3A_5 = arith.constant 0 : index
    %get3A_6 = vector.load %arg2[%get3A_4, %get3A_5] : memref<32x1xf32, #tpu.memory_space<vmem>>, vector<32x1xf32>
    %mul3A = vector.broadcast %get3A_6 : vector<32x1xf32> to vector<32x3192xf32>
    %mul3A_7 = arith.mulf %get3A_3, %mul3A : vector<32x3192xf32>
    %get3A_8 = arith.constant 0 : index
    %get3A_9 = arith.constant 0 : index
    %get3A_10 = vector.load %arg3[%get3A_8, %get3A_9] : memref<32x1xf32, #tpu.memory_space<vmem>>, vector<32x1xf32>
    %add3A = vector.broadcast %get3A_10 : vector<32x1xf32> to vector<32x3192xf32>
    %add3A_11 = arith.addf %mul3A_7, %add3A : vector<32x3192xf32>
    %max3A = arith.constant 0.000000e+00 : f32
    %max3A_12 = vector.broadcast %max3A : f32 to vector<32x3192xf32>
    %max3A_13 = arith.maximumf %add3A_11, %max3A_12 : vector<32x3192xf32>
    %get3A_14 = arith.constant 0 : index
    %get3A_15 = arith.constant 0 : index
    %get3A_16 = vector.load %arg4[%get3A_14, %get3A_15] : memref<32x32xf32, #tpu.memory_space<vmem>>, vector<32x32xf32>
    %convert_element_type3A = arith.truncf %get3A_16 : vector<32x32xf32> to vector<32x32xbf16>
    %convert_element_type3A_17 = arith.truncf %max3A_13 : vector<32x3192xf32> to vector<32x3192xbf16>
    %dot_general3A = arith.constant dense<0.000000e+00> : vector<32x3192xf32>
    %dot_general3A_18 = tpu.matmul %convert_element_type3A, %convert_element_type3A_17, %dot_general3A {dimension_numbers = #tpu.dot_dimension_numbers<[1], [0], [0], [1], [0, 0, 1, 1], [], []>, transpose_lhs_hint = false} : vector<32x32xbf16>, vector<32x3192xbf16>, vector<32x3192xf32> -> vector<32x3192xf32>
    %get3A_19 = arith.constant 0 : index
    %get3A_20 = arith.constant 0 : index
    %get3A_21 = vector.load %arg5[%get3A_19, %get3A_20] : memref<32x1xf32, #tpu.memory_space<vmem>>, vector<32x1xf32>
    %add3A_22 = vector.broadcast %get3A_21 : vector<32x1xf32> to vector<32x3192xf32>
    %add3A_23 = arith.addf %dot_general3A_18, %add3A_22 : vector<32x3192xf32>
    %swap3A = arith.constant 0 : index
    %swap3A_24 = arith.constant 0 : index
    %swap3A_25 = arith.constant 0 : index
    %swap3A_26 = vector.load %arg7[%swap3A, %swap3A_24, %swap3A_25] : memref<1x32x3192xf32, #tpu.memory_space<vmem>>, vector<1x32x3192xf32>
    %swap3A_27 = vector.shape_cast %swap3A_26 : vector<1x32x3192xf32> to vector<32x3192xf32>
    %swap3A_28 = vector.shape_cast %add3A_23 : vector<32x3192xf32> to vector<1x32x3192xf32>
    tpu.vector_store %arg7[%swap3A, %swap3A_24, %swap3A_25], %swap3A_28 {strides = array<i32>} : memref<1x32x3192xf32, #tpu.memory_space<vmem>>, vector<1x32x3192xf32>,
    %get3A_29 = arith.constant 0 : index
    %get3A_30 = arith.constant 0 : index
    %get3A_31 = vector.load %arg6[%get3A_29, %get3A_30] : memref<1x3192xf32, #tpu.memory_space<vmem>>, vector<1x3192xf32>
    %mul3A_32 = vector.broadcast %get3A_31 : vector<1x3192xf32> to vector<32x3192xf32>
    %mul3A_33 = arith.mulf %add3A_23, %mul3A_32 : vector<32x3192xf32>
    %reduce_sum3A = arith.constant dense<0.000000e+00> : vector<32xf32>
    %reduce_sum3A_34 = vector.multi_reduction <add>, %mul3A_33, %reduce_sum3A [1] : vector<32x3192xf32> to vector<32xf32>
    %broadcast_in_dim3A = vector.shape_cast %reduce_sum3A_34 : vector<32xf32> to vector<32x1xf32>
    %mul3A_35 = arith.mulf %mul3A_33, %mul3A_33 : vector<32x3192xf32>
    %reduce_sum3A_36 = arith.constant dense<0.000000e+00> : vector<32xf32>
    %reduce_sum3A_37 = vector.multi_reduction <add>, %mul3A_35, %reduce_sum3A_36 [1] : vector<32x3192xf32> to vector<32xf32>
    %broadcast_in_dim3A_38 = vector.shape_cast %reduce_sum3A_37 : vector<32xf32> to vector<32x1xf32>
    %iota3A = tpu.iota {dimensions = array<i32: 1>} : vector<32x128xi32>
    %broadcast_in_dim3A_39 = arith.constant 0.000000e+00 : f32
    %broadcast_in_dim3A_40 = vector.broadcast %broadcast_in_dim3A_39 : f32 to vector<32x128xf32>
    %eq3A = arith.constant 0 : i32
    %eq3A_41 = vector.broadcast %eq3A : i32 to vector<32x128xi32>
    %eq3A_42 = arith.cmpi eq, %iota3A, %eq3A_41 : vector<32x128xi32>
    %broadcast_in_dim3A_43 = vector.shape_cast %broadcast_in_dim3A : vector<32x1xf32> to vector<32x1xf32>
    %broadcast_in_dim3A_44 = vector.broadcast %broadcast_in_dim3A_43 : vector<32x1xf32> to vector<32x128xf32>
    %select_n3A = arith.select %eq3A_42, %broadcast_in_dim3A_44, %broadcast_in_dim3A_40 : vector<32x128xi1>, vector<32x128xf32>
    %eq3A_45 = arith.constant 1 : i32
    %eq3A_46 = vector.broadcast %eq3A_45 : i32 to vector<32x128xi32>
    %eq3A_47 = arith.cmpi eq, %iota3A, %eq3A_46 : vector<32x128xi32>
    %broadcast_in_dim3A_48 = vector.shape_cast %broadcast_in_dim3A_38 : vector<32x1xf32> to vector<32x1xf32>
    %broadcast_in_dim3A_49 = vector.broadcast %broadcast_in_dim3A_48 : vector<32x1xf32> to vector<32x128xf32>
    %select_n3A_50 = arith.select %eq3A_47, %broadcast_in_dim3A_49, %broadcast_in_dim3A_40 : vector<32x128xi1>, vector<32x128xf32>
    %add3A_51 = arith.addf %select_n3A, %select_n3A_50 : vector<32x128xf32>
    %eq3A_52 = arith.constant 0 : i32
    %eq3A_53 = arith.cmpi eq, %arg0, %eq3A_52 : i32
    %convert_element_type3A_54 = arith.extui %eq3A_53 : i1 to i32
    %cond3A = arith.constant 0 : i32
    %cond3A_55 = arith.cmpi ne, %convert_element_type3A_54, %cond3A : i32
    scf.if %cond3A_55 {
      %swap3A_60 = arith.constant 0 : index
      %swap3A_61 = arith.constant 0 : index
      %swap3A_62 = vector.load %arg8[%swap3A_60, %swap3A_61] : memref<32x128xf32, #tpu.memory_space<vmem>>, vector<32x128xf32>
      tpu.vector_store %arg8[%swap3A_60, %swap3A_61], %add3A_51 {strides = array<i32>} : memref<32x128xf32, #tpu.memory_space<vmem>>, vector<32x128xf32>,
    } else {
    }
    %ne3A = arith.constant 0 : i32
    %ne3A_56 = arith.cmpi ne, %arg0, %ne3A : i32
    %convert_element_type3A_57 = arith.extui %ne3A_56 : i1 to i32
    %cond3A_58 = arith.constant 0 : i32
    %cond3A_59 = arith.cmpi ne, %convert_element_type3A_57, %cond3A_58 : i32
    scf.if %cond3A_59 {
      %get3A_60 = arith.constant 0 : index
      %get3A_61 = arith.constant 0 : index
      %get3A_62 = vector.load %arg8[%get3A_60, %get3A_61] : memref<32x128xf32, #tpu.memory_space<vmem>>, vector<32x128xf32>
      %add3A_63 = arith.addf %get3A_62, %add3A_51 : vector<32x128xf32>
      %swap3A_64 = arith.constant 0 : index
      %swap3A_65 = arith.constant 0 : index
      %swap3A_66 = vector.load %arg8[%swap3A_64, %swap3A_65] : memref<32x128xf32, #tpu.memory_space<vmem>>, vector<32x128xf32>
      tpu.vector_store %arg8[%swap3A_64, %swap3A_65], %add3A_63 {strides = array<i32>} : memref<32x128xf32, #tpu.memory_space<vmem>>, vector<32x128xf32>,
    } else {
    }
    return
  }
  func.func @transform_0(%arg0: i32) -> (i32, i32, i32) {
    %c0_i32 = arith.constant 0 : i32
    %c0_i32_0 = arith.constant 0 : i32
    %c0_i32_1 = arith.constant 0 : i32
    return %arg0, %c0_i32, %c0_i32_0 : i32, i32, i32
  }
  func.func @transform_1(%arg0: i32) -> (i32, i32) {
    %c0_i32 = arith.constant 0 : i32
    %c0_i32_0 = arith.constant 0 : i32
    %c0_i32_1 = arith.constant 0 : i32
    return %c0_i32, %c0_i32_0 : i32, i32
  }
  func.func @transform_2(%arg0: i32) -> (i32, i32) {
    %c0_i32 = arith.constant 0 : i32
    %c0_i32_0 = arith.constant 0 : i32
    %c0_i32_1 = arith.constant 0 : i32
    return %c0_i32, %c0_i32_0 : i32, i32
  }
  func.func @transform_3(%arg0: i32) -> (i32, i32) {
    %c0_i32 = arith.constant 0 : i32
    %c0_i32_0 = arith.constant 0 : i32
    %c0_i32_1 = arith.constant 0 : i32
    return %c0_i32, %c0_i32_0 : i32, i32
  }
  func.func @transform_4(%arg0: i32) -> (i32, i32) {
    %c0_i32 = arith.constant 0 : i32
    %c0_i32_0 = arith.constant 0 : i32
    %c0_i32_1 = arith.constant 0 : i32
    return %c0_i32, %c0_i32_0 : i32, i32
  }
  func.func @transform_5(%arg0: i32) -> (i32, i32) {
    %c0_i32 = arith.constant 0 : i32
    %c0_i32_0 = arith.constant 0 : i32
    %c0_i32_1 = arith.constant 0 : i32
    return %c0_i32, %c0_i32_0 : i32, i32
  }
  func.func @transform_6(%arg0: i32) -> (i32, i32, i32) {
    %c0_i32 = arith.constant 0 : i32
    %c0_i32_0 = arith.constant 0 : i32
    %c0_i32_1 = arith.constant 0 : i32
    return %arg0, %c0_i32, %c0_i32_0 : i32, i32, i32
  }
  func.func @transform_7(%arg0: i32) -> (i32, i32) {
    %c0_i32 = arith.constant 0 : i32
    %c0_i32_0 = arith.constant 0 : i32
    %c0_i32_1 = arith.constant 0 : i32
    return %c0_i32, %c0_i32_0 : i32, i32
  }
}

module attributes {stable_mosaic.version = 14 : i64} {
  func.func @_k4_body(%arg0: i32, %arg1: memref<1x32x3192xf32, #tpu.memory_space<vmem>>, %arg2: memref<32x1xf32, #tpu.memory_space<vmem>>, %arg3: memref<32x1xf32, #tpu.memory_space<vmem>>, %arg4: memref<32x1xf32, #tpu.memory_space<vmem>>, %arg5: memref<32x1xf32, #tpu.memory_space<vmem>>, %arg6: memref<512x32xf32, #tpu.memory_space<vmem>>, %arg7: memref<32x512xf32, #tpu.memory_space<vmem>>, %arg8: memref<32x32xf32, #tpu.memory_space<vmem>>, %arg9: memref<32x1xf32, #tpu.memory_space<vmem>>, %arg10: memref<1x3192xf32, #tpu.memory_space<vmem>>, %arg11: memref<1x32x3192xf32, #tpu.memory_space<vmem>>, %arg12: memref<1x1x3192xi32, #tpu.memory_space<vmem>>, %arg13: memref<1x32x3192xf32, #tpu.memory_space<vmem>>, %arg14: memref<1x32x3192xf32, #tpu.memory_space<vmem>>, %arg15: memref<32x128xf32, #tpu.memory_space<vmem>>) attributes {dimension_semantics = [#tpu.dimension_semantics<arbitrary>], iteration_bounds = array<i64: 8>, scalar_prefetch = 0 : i64, scratch_operands = 0 : i64, tpu.core_type = #tpu.core_type<tc>, window_params = [{transform_indices = @transform_0, window_bounds = array<i64: 1, 32, 3192>}, {pipeline_mode = #tpu.pipeline_mode<synchronous>, transform_indices = @transform_1, window_bounds = array<i64: 32, 1>}, {pipeline_mode = #tpu.pipeline_mode<synchronous>, transform_indices = @transform_2, window_bounds = array<i64: 32, 1>}, {pipeline_mode = #tpu.pipeline_mode<synchronous>, transform_indices = @transform_3, window_bounds = array<i64: 32, 1>}, {pipeline_mode = #tpu.pipeline_mode<synchronous>, transform_indices = @transform_4, window_bounds = array<i64: 32, 1>}, {pipeline_mode = #tpu.pipeline_mode<synchronous>, transform_indices = @transform_5, window_bounds = array<i64: 512, 32>}, {pipeline_mode = #tpu.pipeline_mode<synchronous>, transform_indices = @transform_6, window_bounds = array<i64: 32, 512>}, {pipeline_mode = #tpu.pipeline_mode<synchronous>, transform_indices = @transform_7, window_bounds = array<i64: 32, 32>}, {pipeline_mode = #tpu.pipeline_mode<synchronous>, transform_indices = @transform_8, window_bounds = array<i64: 32, 1>}, {pipeline_mode = #tpu.pipeline_mode<synchronous>, transform_indices = @transform_9, window_bounds = array<i64: 1, 3192>}, {transform_indices = @transform_10, window_bounds = array<i64: 1, 32, 3192>}, {transform_indices = @transform_11, window_bounds = array<i64: 1, 1, 3192>}, {transform_indices = @transform_12, window_bounds = array<i64: 1, 32, 3192>}, {transform_indices = @transform_13, window_bounds = array<i64: 1, 32, 3192>}, {pipeline_mode = #tpu.pipeline_mode<synchronous>, transform_indices = @transform_14, window_bounds = array<i64: 32, 128>}]} {
    %get3A = arith.constant 0 : index
    %get3A_0 = arith.constant 0 : index
    %get3A_1 = arith.constant 0 : index
    %get3A_2 = vector.load %arg1[%get3A, %get3A_0, %get3A_1] : memref<1x32x3192xf32, #tpu.memory_space<vmem>>, vector<1x32x3192xf32>
    %get3A_3 = vector.shape_cast %get3A_2 : vector<1x32x3192xf32> to vector<32x3192xf32>
    %get3A_4 = arith.constant 0 : index
    %get3A_5 = arith.constant 0 : index
    %get3A_6 = vector.load %arg2[%get3A_4, %get3A_5] : memref<32x1xf32, #tpu.memory_space<vmem>>, vector<32x1xf32>
    %sub3A = vector.broadcast %get3A_6 : vector<32x1xf32> to vector<32x3192xf32>
    %sub3A_7 = arith.subf %get3A_3, %sub3A : vector<32x3192xf32>
    %get3A_8 = arith.constant 0 : index
    %get3A_9 = arith.constant 0 : index
    %get3A_10 = vector.load %arg3[%get3A_8, %get3A_9] : memref<32x1xf32, #tpu.memory_space<vmem>>, vector<32x1xf32>
    %div3A = vector.broadcast %get3A_10 : vector<32x1xf32> to vector<32x3192xf32>
    %div3A_11 = arith.divf %sub3A_7, %div3A : vector<32x3192xf32>
    %get3A_12 = arith.constant 0 : index
    %get3A_13 = arith.constant 0 : index
    %get3A_14 = vector.load %arg4[%get3A_12, %get3A_13] : memref<32x1xf32, #tpu.memory_space<vmem>>, vector<32x1xf32>
    %mul3A = vector.broadcast %get3A_14 : vector<32x1xf32> to vector<32x3192xf32>
    %mul3A_15 = arith.mulf %div3A_11, %mul3A : vector<32x3192xf32>
    %get3A_16 = arith.constant 0 : index
    %get3A_17 = arith.constant 0 : index
    %get3A_18 = vector.load %arg5[%get3A_16, %get3A_17] : memref<32x1xf32, #tpu.memory_space<vmem>>, vector<32x1xf32>
    %add3A = vector.broadcast %get3A_18 : vector<32x1xf32> to vector<32x3192xf32>
    %add3A_19 = arith.addf %mul3A_15, %add3A : vector<32x3192xf32>
    %swap3A = arith.constant 0 : index
    %swap3A_20 = arith.constant 0 : index
    %swap3A_21 = arith.constant 0 : index
    %swap3A_22 = vector.load %arg11[%swap3A, %swap3A_20, %swap3A_21] : memref<1x32x3192xf32, #tpu.memory_space<vmem>>, vector<1x32x3192xf32>
    %swap3A_23 = vector.shape_cast %swap3A_22 : vector<1x32x3192xf32> to vector<32x3192xf32>
    %swap3A_24 = vector.shape_cast %add3A_19 : vector<32x3192xf32> to vector<1x32x3192xf32>
    tpu.vector_store %arg11[%swap3A, %swap3A_20, %swap3A_21], %swap3A_24 {strides = array<i32>} : memref<1x32x3192xf32, #tpu.memory_space<vmem>>, vector<1x32x3192xf32>,
    %get3A_25 = arith.constant 0 : index
    %get3A_26 = arith.constant 0 : index
    %get3A_27 = vector.load %arg6[%get3A_25, %get3A_26] : memref<512x32xf32, #tpu.memory_space<vmem>>, vector<512x32xf32>
    %mul3A_28 = arith.mulf %get3A_27, %get3A_27 : vector<512x32xf32>
    %reduce_sum3A = arith.constant dense<0.000000e+00> : vector<512xf32>
    %reduce_sum3A_29 = vector.multi_reduction <add>, %mul3A_28, %reduce_sum3A [1] : vector<512x32xf32> to vector<512xf32>
    %broadcast_in_dim3A = vector.shape_cast %reduce_sum3A_29 : vector<512xf32> to vector<512x1xf32>
    %mul3A_30 = arith.mulf %add3A_19, %add3A_19 : vector<32x3192xf32>
    %reduce_sum3A_31 = arith.constant dense<0.000000e+00> : vector<3192xf32>
    %reduce_sum3A_32 = vector.multi_reduction <add>, %mul3A_30, %reduce_sum3A_31 [0] : vector<32x3192xf32> to vector<3192xf32>
    %broadcast_in_dim3A_33 = vector.shape_cast %reduce_sum3A_32 : vector<3192xf32> to vector<1x3192xf32>
    %convert_element_type3A = arith.truncf %get3A_27 : vector<512x32xf32> to vector<512x32xbf16>
    %convert_element_type3A_34 = arith.truncf %add3A_19 : vector<32x3192xf32> to vector<32x3192xbf16>
    %dot_general3A = arith.constant dense<0.000000e+00> : vector<512x3192xf32>
    %dot_general3A_35 = tpu.matmul %convert_element_type3A, %convert_element_type3A_34, %dot_general3A {dimension_numbers = #tpu.dot_dimension_numbers<[1], [0], [0], [1], [0, 0, 1, 1], [], []>, transpose_lhs_hint = false} : vector<512x32xbf16>, vector<32x3192xbf16>, vector<512x3192xf32> -> vector<512x3192xf32>
    %mul3A_36 = arith.constant 2.000000e+00 : f32
    %mul3A_37 = vector.broadcast %mul3A_36 : f32 to vector<512x3192xf32>
    %mul3A_38 = arith.mulf %mul3A_37, %dot_general3A_35 : vector<512x3192xf32>
    %sub3A_39 = vector.broadcast %broadcast_in_dim3A_33 : vector<1x3192xf32> to vector<512x3192xf32>
    %sub3A_40 = arith.subf %sub3A_39, %mul3A_38 : vector<512x3192xf32>
    %add3A_41 = vector.broadcast %broadcast_in_dim3A : vector<512x1xf32> to vector<512x3192xf32>
    %add3A_42 = arith.addf %sub3A_40, %add3A_41 : vector<512x3192xf32>
    %reduce_min3A = arith.constant dense<0x7F800000> : vector<3192xf32>
    %reduce_min3A_43 = vector.multi_reduction <minimumf>, %add3A_42, %reduce_min3A [0] : vector<512x3192xf32> to vector<3192xf32>
    %broadcast_in_dim3A_44 = vector.shape_cast %reduce_min3A_43 : vector<3192xf32> to vector<1x3192xf32>
    %iota3A = tpu.iota {dimensions = array<i32: 0>} : vector<512x3192xi32>
    %eq3A = vector.broadcast %broadcast_in_dim3A_44 : vector<1x3192xf32> to vector<512x3192xf32>
    %eq3A_45 = arith.cmpf oeq, %add3A_42, %eq3A : vector<512x3192xf32>
    %jit3A = arith.constant 512 : i32
    %broadcast_in_dim3A_46 = vector.broadcast %jit3A : i32 to vector<512x3192xi32>
    %select_n3A = arith.select %eq3A_45, %iota3A, %broadcast_in_dim3A_46 : vector<512x3192xi1>, vector<512x3192xi32>
    %reduce_min3A_47 = arith.constant dense<2147483647> : vector<3192xi32>
    %reduce_min3A_48 = vector.multi_reduction <minsi>, %select_n3A, %reduce_min3A_47 [0] : vector<512x3192xi32> to vector<3192xi32>
    %broadcast_in_dim3A_49 = vector.shape_cast %reduce_min3A_48 : vector<3192xi32> to vector<1x3192xi32>
    %swap3A_50 = arith.constant 0 : index
    %swap3A_51 = arith.constant 0 : index
    %swap3A_52 = arith.constant 0 : index
    %swap3A_53 = vector.load %arg12[%swap3A_50, %swap3A_51, %swap3A_52] : memref<1x1x3192xi32, #tpu.memory_space<vmem>>, vector<1x1x3192xi32>
    %swap3A_54 = vector.shape_cast %swap3A_53 : vector<1x1x3192xi32> to vector<1x3192xi32>
    %swap3A_55 = vector.shape_cast %broadcast_in_dim3A_49 : vector<1x3192xi32> to vector<1x1x3192xi32>
    tpu.vector_store %arg12[%swap3A_50, %swap3A_51, %swap3A_52], %swap3A_55 {strides = array<i32>} : memref<1x1x3192xi32, #tpu.memory_space<vmem>>, vector<1x1x3192xi32>,
    %eq3A_56 = vector.broadcast %broadcast_in_dim3A_49 : vector<1x3192xi32> to vector<512x3192xi32>
    %eq3A_57 = arith.cmpi eq, %iota3A, %eq3A_56 : vector<512x3192xi32>
    %convert_element_type3A_58 = arith.extui %eq3A_57 : vector<512x3192xi1> to vector<512x3192xi32>
    %convert_element_type3A_59 = arith.sitofp %convert_element_type3A_58 : vector<512x3192xi32> to vector<512x3192xf32>
    %get3A_60 = arith.constant 0 : index
    %get3A_61 = arith.constant 0 : index
    %get3A_62 = vector.load %arg7[%get3A_60, %get3A_61] : memref<32x512xf32, #tpu.memory_space<vmem>>, vector<32x512xf32>
    %dot_general3A_63 = arith.constant dense<0.000000e+00> : vector<32x3192xf32>
    %dot_general3A_64 = tpu.matmul %get3A_62, %convert_element_type3A_59, %dot_general3A_63 {dimension_numbers = #tpu.dot_dimension_numbers<[1], [0], [0], [1], [0, 0, 1, 1], [], []>, precision = #tpu.contract_precision<fp32>, transpose_lhs_hint = false} : vector<32x512xf32>, vector<512x3192xf32>, vector<32x3192xf32> -> vector<32x3192xf32>
    %swap3A_65 = arith.constant 0 : index
    %swap3A_66 = arith.constant 0 : index
    %swap3A_67 = arith.constant 0 : index
    %swap3A_68 = vector.load %arg13[%swap3A_65, %swap3A_66, %swap3A_67] : memref<1x32x3192xf32, #tpu.memory_space<vmem>>, vector<1x32x3192xf32>
    %swap3A_69 = vector.shape_cast %swap3A_68 : vector<1x32x3192xf32> to vector<32x3192xf32>
    %swap3A_70 = vector.shape_cast %dot_general3A_64 : vector<32x3192xf32> to vector<1x32x3192xf32>
    tpu.vector_store %arg13[%swap3A_65, %swap3A_66, %swap3A_67], %swap3A_70 {strides = array<i32>} : memref<1x32x3192xf32, #tpu.memory_space<vmem>>, vector<1x32x3192xf32>,
    %get3A_71 = arith.constant 0 : index
    %get3A_72 = arith.constant 0 : index
    %get3A_73 = vector.load %arg8[%get3A_71, %get3A_72] : memref<32x32xf32, #tpu.memory_space<vmem>>, vector<32x32xf32>
    %convert_element_type3A_74 = arith.truncf %get3A_73 : vector<32x32xf32> to vector<32x32xbf16>
    %convert_element_type3A_75 = arith.truncf %dot_general3A_64 : vector<32x3192xf32> to vector<32x3192xbf16>
    %dot_general3A_76 = arith.constant dense<0.000000e+00> : vector<32x3192xf32>
    %dot_general3A_77 = tpu.matmul %convert_element_type3A_74, %convert_element_type3A_75, %dot_general3A_76 {dimension_numbers = #tpu.dot_dimension_numbers<[1], [0], [0], [1], [0, 0, 1, 1], [], []>, transpose_lhs_hint = false} : vector<32x32xbf16>, vector<32x3192xbf16>, vector<32x3192xf32> -> vector<32x3192xf32>
    %get3A_78 = arith.constant 0 : index
    %get3A_79 = arith.constant 0 : index
    %get3A_80 = vector.load %arg9[%get3A_78, %get3A_79] : memref<32x1xf32, #tpu.memory_space<vmem>>, vector<32x1xf32>
    %add3A_81 = vector.broadcast %get3A_80 : vector<32x1xf32> to vector<32x3192xf32>
    %add3A_82 = arith.addf %dot_general3A_77, %add3A_81 : vector<32x3192xf32>
    %swap3A_83 = arith.constant 0 : index
    %swap3A_84 = arith.constant 0 : index
    %swap3A_85 = arith.constant 0 : index
    %swap3A_86 = vector.load %arg14[%swap3A_83, %swap3A_84, %swap3A_85] : memref<1x32x3192xf32, #tpu.memory_space<vmem>>, vector<1x32x3192xf32>
    %swap3A_87 = vector.shape_cast %swap3A_86 : vector<1x32x3192xf32> to vector<32x3192xf32>
    %swap3A_88 = vector.shape_cast %add3A_82 : vector<32x3192xf32> to vector<1x32x3192xf32>
    tpu.vector_store %arg14[%swap3A_83, %swap3A_84, %swap3A_85], %swap3A_88 {strides = array<i32>} : memref<1x32x3192xf32, #tpu.memory_space<vmem>>, vector<1x32x3192xf32>,
    %get3A_89 = arith.constant 0 : index
    %get3A_90 = arith.constant 0 : index
    %get3A_91 = vector.load %arg10[%get3A_89, %get3A_90] : memref<1x3192xf32, #tpu.memory_space<vmem>>, vector<1x3192xf32>
    %mul3A_92 = vector.broadcast %get3A_91 : vector<1x3192xf32> to vector<32x3192xf32>
    %mul3A_93 = arith.mulf %add3A_82, %mul3A_92 : vector<32x3192xf32>
    %reduce_sum3A_94 = arith.constant dense<0.000000e+00> : vector<32xf32>
    %reduce_sum3A_95 = vector.multi_reduction <add>, %mul3A_93, %reduce_sum3A_94 [1] : vector<32x3192xf32> to vector<32xf32>
    %broadcast_in_dim3A_96 = vector.shape_cast %reduce_sum3A_95 : vector<32xf32> to vector<32x1xf32>
    %mul3A_97 = arith.mulf %mul3A_93, %mul3A_93 : vector<32x3192xf32>
    %reduce_sum3A_98 = arith.constant dense<0.000000e+00> : vector<32xf32>
    %reduce_sum3A_99 = vector.multi_reduction <add>, %mul3A_97, %reduce_sum3A_98 [1] : vector<32x3192xf32> to vector<32xf32>
    %broadcast_in_dim3A_100 = vector.shape_cast %reduce_sum3A_99 : vector<32xf32> to vector<32x1xf32>
    %iota3A_101 = tpu.iota {dimensions = array<i32: 1>} : vector<32x128xi32>
    %broadcast_in_dim3A_102 = arith.constant 0.000000e+00 : f32
    %broadcast_in_dim3A_103 = vector.broadcast %broadcast_in_dim3A_102 : f32 to vector<32x128xf32>
    %eq3A_104 = arith.constant 0 : i32
    %eq3A_105 = vector.broadcast %eq3A_104 : i32 to vector<32x128xi32>
    %eq3A_106 = arith.cmpi eq, %iota3A_101, %eq3A_105 : vector<32x128xi32>
    %broadcast_in_dim3A_107 = vector.shape_cast %broadcast_in_dim3A_96 : vector<32x1xf32> to vector<32x1xf32>
    %broadcast_in_dim3A_108 = vector.broadcast %broadcast_in_dim3A_107 : vector<32x1xf32> to vector<32x128xf32>
    %select_n3A_109 = arith.select %eq3A_106, %broadcast_in_dim3A_108, %broadcast_in_dim3A_103 : vector<32x128xi1>, vector<32x128xf32>
    %eq3A_110 = arith.constant 1 : i32
    %eq3A_111 = vector.broadcast %eq3A_110 : i32 to vector<32x128xi32>
    %eq3A_112 = arith.cmpi eq, %iota3A_101, %eq3A_111 : vector<32x128xi32>
    %broadcast_in_dim3A_113 = vector.shape_cast %broadcast_in_dim3A_100 : vector<32x1xf32> to vector<32x1xf32>
    %broadcast_in_dim3A_114 = vector.broadcast %broadcast_in_dim3A_113 : vector<32x1xf32> to vector<32x128xf32>
    %select_n3A_115 = arith.select %eq3A_112, %broadcast_in_dim3A_114, %broadcast_in_dim3A_103 : vector<32x128xi1>, vector<32x128xf32>
    %add3A_116 = arith.addf %select_n3A_109, %select_n3A_115 : vector<32x128xf32>
    %eq3A_117 = arith.constant 0 : i32
    %eq3A_118 = arith.cmpi eq, %arg0, %eq3A_117 : i32
    %convert_element_type3A_119 = arith.extui %eq3A_118 : i1 to i32
    %cond3A = arith.constant 0 : i32
    %cond3A_120 = arith.cmpi ne, %convert_element_type3A_119, %cond3A : i32
    scf.if %cond3A_120 {
      %swap3A_125 = arith.constant 0 : index
      %swap3A_126 = arith.constant 0 : index
      %swap3A_127 = vector.load %arg15[%swap3A_125, %swap3A_126] : memref<32x128xf32, #tpu.memory_space<vmem>>, vector<32x128xf32>
      tpu.vector_store %arg15[%swap3A_125, %swap3A_126], %add3A_116 {strides = array<i32>} : memref<32x128xf32, #tpu.memory_space<vmem>>, vector<32x128xf32>,
    } else {
    }
    %ne3A = arith.constant 0 : i32
    %ne3A_121 = arith.cmpi ne, %arg0, %ne3A : i32
    %convert_element_type3A_122 = arith.extui %ne3A_121 : i1 to i32
    %cond3A_123 = arith.constant 0 : i32
    %cond3A_124 = arith.cmpi ne, %convert_element_type3A_122, %cond3A_123 : i32
    scf.if %cond3A_124 {
      %get3A_125 = arith.constant 0 : index
      %get3A_126 = arith.constant 0 : index
      %get3A_127 = vector.load %arg15[%get3A_125, %get3A_126] : memref<32x128xf32, #tpu.memory_space<vmem>>, vector<32x128xf32>
      %add3A_128 = arith.addf %get3A_127, %add3A_116 : vector<32x128xf32>
      %swap3A_129 = arith.constant 0 : index
      %swap3A_130 = arith.constant 0 : index
      %swap3A_131 = vector.load %arg15[%swap3A_129, %swap3A_130] : memref<32x128xf32, #tpu.memory_space<vmem>>, vector<32x128xf32>
      tpu.vector_store %arg15[%swap3A_129, %swap3A_130], %add3A_128 {strides = array<i32>} : memref<32x128xf32, #tpu.memory_space<vmem>>, vector<32x128xf32>,
    } else {
    }
    return
  }
  func.func @transform_0(%arg0: i32) -> (i32, i32, i32) {
    %c0_i32 = arith.constant 0 : i32
    %c0_i32_0 = arith.constant 0 : i32
    %c0_i32_1 = arith.constant 0 : i32
    return %arg0, %c0_i32, %c0_i32_0 : i32, i32, i32
  }
  func.func @transform_1(%arg0: i32) -> (i32, i32) {
    %c0_i32 = arith.constant 0 : i32
    %c0_i32_0 = arith.constant 0 : i32
    %c0_i32_1 = arith.constant 0 : i32
    return %c0_i32, %c0_i32_0 : i32, i32
  }
  func.func @transform_2(%arg0: i32) -> (i32, i32) {
    %c0_i32 = arith.constant 0 : i32
    %c0_i32_0 = arith.constant 0 : i32
    %c0_i32_1 = arith.constant 0 : i32
    return %c0_i32, %c0_i32_0 : i32, i32
  }
  func.func @transform_3(%arg0: i32) -> (i32, i32) {
    %c0_i32 = arith.constant 0 : i32
    %c0_i32_0 = arith.constant 0 : i32
    %c0_i32_1 = arith.constant 0 : i32
    return %c0_i32, %c0_i32_0 : i32, i32
  }
  func.func @transform_4(%arg0: i32) -> (i32, i32) {
    %c0_i32 = arith.constant 0 : i32
    %c0_i32_0 = arith.constant 0 : i32
    %c0_i32_1 = arith.constant 0 : i32
    return %c0_i32, %c0_i32_0 : i32, i32
  }
  func.func @transform_5(%arg0: i32) -> (i32, i32) {
    %c0_i32 = arith.constant 0 : i32
    %c0_i32_0 = arith.constant 0 : i32
    %c0_i32_1 = arith.constant 0 : i32
    return %c0_i32, %c0_i32_0 : i32, i32
  }
  func.func @transform_6(%arg0: i32) -> (i32, i32) {
    %c0_i32 = arith.constant 0 : i32
    %c0_i32_0 = arith.constant 0 : i32
    %c0_i32_1 = arith.constant 0 : i32
    return %c0_i32, %c0_i32_0 : i32, i32
  }
  func.func @transform_7(%arg0: i32) -> (i32, i32) {
    %c0_i32 = arith.constant 0 : i32
    %c0_i32_0 = arith.constant 0 : i32
    %c0_i32_1 = arith.constant 0 : i32
    return %c0_i32, %c0_i32_0 : i32, i32
  }
  func.func @transform_8(%arg0: i32) -> (i32, i32) {
    %c0_i32 = arith.constant 0 : i32
    %c0_i32_0 = arith.constant 0 : i32
    %c0_i32_1 = arith.constant 0 : i32
    return %c0_i32, %c0_i32_0 : i32, i32
  }
  func.func @transform_9(%arg0: i32) -> (i32, i32) {
    %c0_i32 = arith.constant 0 : i32
    %c0_i32_0 = arith.constant 0 : i32
    %c0_i32_1 = arith.constant 0 : i32
    return %c0_i32, %c0_i32_0 : i32, i32
  }
  func.func @transform_10(%arg0: i32) -> (i32, i32, i32) {
    %c0_i32 = arith.constant 0 : i32
    %c0_i32_0 = arith.constant 0 : i32
    %c0_i32_1 = arith.constant 0 : i32
    return %arg0, %c0_i32, %c0_i32_0 : i32, i32, i32
  }
  func.func @transform_11(%arg0: i32) -> (i32, i32, i32) {
    %c0_i32 = arith.constant 0 : i32
    %c0_i32_0 = arith.constant 0 : i32
    %c0_i32_1 = arith.constant 0 : i32
    return %arg0, %c0_i32, %c0_i32_0 : i32, i32, i32
  }
  func.func @transform_12(%arg0: i32) -> (i32, i32, i32) {
    %c0_i32 = arith.constant 0 : i32
    %c0_i32_0 = arith.constant 0 : i32
    %c0_i32_1 = arith.constant 0 : i32
    return %arg0, %c0_i32, %c0_i32_0 : i32, i32, i32
  }
  func.func @transform_13(%arg0: i32) -> (i32, i32, i32) {
    %c0_i32 = arith.constant 0 : i32
    %c0_i32_0 = arith.constant 0 : i32
    %c0_i32_1 = arith.constant 0 : i32
    return %arg0, %c0_i32, %c0_i32_0 : i32, i32, i32
  }
  func.func @transform_14(%arg0: i32) -> (i32, i32) {
    %c0_i32 = arith.constant 0 : i32
    %c0_i32_0 = arith.constant 0 : i32
    %c0_i32_1 = arith.constant 0 : i32
    return %c0_i32, %c0_i32_0 : i32, i32
  }
}

module attributes {stable_mosaic.version = 14 : i64} {
  func.func @_bnrelu_body(%arg0: i32, %arg1: memref<1x32x3192xf32, #tpu.memory_space<vmem>>, %arg2: memref<32x1xf32, #tpu.memory_space<vmem>>, %arg3: memref<32x1xf32, #tpu.memory_space<vmem>>, %arg4: memref<1x32x3192xf32, #tpu.memory_space<vmem>>) attributes {dimension_semantics = [#tpu.dimension_semantics<arbitrary>], iteration_bounds = array<i64: 8>, scalar_prefetch = 0 : i64, scratch_operands = 0 : i64, tpu.core_type = #tpu.core_type<tc>, window_params = [{transform_indices = @transform_0, window_bounds = array<i64: 1, 32, 3192>}, {pipeline_mode = #tpu.pipeline_mode<synchronous>, transform_indices = @transform_1, window_bounds = array<i64: 32, 1>}, {pipeline_mode = #tpu.pipeline_mode<synchronous>, transform_indices = @transform_2, window_bounds = array<i64: 32, 1>}, {transform_indices = @transform_3, window_bounds = array<i64: 1, 32, 3192>}]} {
    %get3A = arith.constant 0 : index
    %get3A_0 = arith.constant 0 : index
    %get3A_1 = arith.constant 0 : index
    %get3A_2 = vector.load %arg1[%get3A, %get3A_0, %get3A_1] : memref<1x32x3192xf32, #tpu.memory_space<vmem>>, vector<1x32x3192xf32>
    %get3A_3 = vector.shape_cast %get3A_2 : vector<1x32x3192xf32> to vector<32x3192xf32>
    %get3A_4 = arith.constant 0 : index
    %get3A_5 = arith.constant 0 : index
    %get3A_6 = vector.load %arg2[%get3A_4, %get3A_5] : memref<32x1xf32, #tpu.memory_space<vmem>>, vector<32x1xf32>
    %mul3A = vector.broadcast %get3A_6 : vector<32x1xf32> to vector<32x3192xf32>
    %mul3A_7 = arith.mulf %get3A_3, %mul3A : vector<32x3192xf32>
    %get3A_8 = arith.constant 0 : index
    %get3A_9 = arith.constant 0 : index
    %get3A_10 = vector.load %arg3[%get3A_8, %get3A_9] : memref<32x1xf32, #tpu.memory_space<vmem>>, vector<32x1xf32>
    %add3A = vector.broadcast %get3A_10 : vector<32x1xf32> to vector<32x3192xf32>
    %add3A_11 = arith.addf %mul3A_7, %add3A : vector<32x3192xf32>
    %max3A = arith.constant 0.000000e+00 : f32
    %max3A_12 = vector.broadcast %max3A : f32 to vector<32x3192xf32>
    %max3A_13 = arith.maximumf %add3A_11, %max3A_12 : vector<32x3192xf32>
    %swap3A = arith.constant 0 : index
    %swap3A_14 = arith.constant 0 : index
    %swap3A_15 = arith.constant 0 : index
    %swap3A_16 = vector.load %arg4[%swap3A, %swap3A_14, %swap3A_15] : memref<1x32x3192xf32, #tpu.memory_space<vmem>>, vector<1x32x3192xf32>
    %swap3A_17 = vector.shape_cast %swap3A_16 : vector<1x32x3192xf32> to vector<32x3192xf32>
    %swap3A_18 = vector.shape_cast %max3A_13 : vector<32x3192xf32> to vector<1x32x3192xf32>
    tpu.vector_store %arg4[%swap3A, %swap3A_14, %swap3A_15], %swap3A_18 {strides = array<i32>} : memref<1x32x3192xf32, #tpu.memory_space<vmem>>, vector<1x32x3192xf32>,
    return
  }
  func.func @transform_0(%arg0: i32) -> (i32, i32, i32) {
    %c0_i32 = arith.constant 0 : i32
    %c0_i32_0 = arith.constant 0 : i32
    %c0_i32_1 = arith.constant 0 : i32
    return %arg0, %c0_i32, %c0_i32_0 : i32, i32, i32
  }
  func.func @transform_1(%arg0: i32) -> (i32, i32) {
    %c0_i32 = arith.constant 0 : i32
    %c0_i32_0 = arith.constant 0 : i32
    %c0_i32_1 = arith.constant 0 : i32
    return %c0_i32, %c0_i32_0 : i32, i32
  }
  func.func @transform_2(%arg0: i32) -> (i32, i32) {
    %c0_i32 = arith.constant 0 : i32
    %c0_i32_0 = arith.constant 0 : i32
    %c0_i32_1 = arith.constant 0 : i32
    return %c0_i32, %c0_i32_0 : i32, i32
  }
  func.func @transform_3(%arg0: i32) -> (i32, i32, i32) {
    %c0_i32 = arith.constant 0 : i32
    %c0_i32_0 = arith.constant 0 : i32
    %c0_i32_1 = arith.constant 0 : i32
    return %arg0, %c0_i32, %c0_i32_0 : i32, i32, i32
  }
}

module attributes {stable_mosaic.version = 14 : i64} {
  func.func @_stats_body(%arg0: i32, %arg1: memref<1x16x12544xf32, #tpu.memory_space<vmem>>, %arg2: memref<16x128xf32, #tpu.memory_space<vmem>>) attributes {dimension_semantics = [#tpu.dimension_semantics<arbitrary>], iteration_bounds = array<i64: 8>, scalar_prefetch = 0 : i64, scratch_operands = 0 : i64, tpu.core_type = #tpu.core_type<tc>, window_params = [{transform_indices = @transform_0, window_bounds = array<i64: 1, 16, 12544>}, {pipeline_mode = #tpu.pipeline_mode<synchronous>, transform_indices = @transform_1, window_bounds = array<i64: 16, 128>}]} {
    %get3A = arith.constant 0 : index
    %get3A_0 = arith.constant 0 : index
    %get3A_1 = arith.constant 0 : index
    %get3A_2 = vector.load %arg1[%get3A, %get3A_0, %get3A_1] : memref<1x16x12544xf32, #tpu.memory_space<vmem>>, vector<1x16x12544xf32>
    %get3A_3 = vector.shape_cast %get3A_2 : vector<1x16x12544xf32> to vector<16x12544xf32>
    %mul3A = arith.constant 1.000000e+00 : f32
    %mul3A_4 = vector.broadcast %mul3A : f32 to vector<16x12544xf32>
    %mul3A_5 = arith.mulf %get3A_3, %mul3A_4 : vector<16x12544xf32>
    %reduce_sum3A = arith.constant dense<0.000000e+00> : vector<16xf32>
    %reduce_sum3A_6 = vector.multi_reduction <add>, %mul3A_5, %reduce_sum3A [1] : vector<16x12544xf32> to vector<16xf32>
    %broadcast_in_dim3A = vector.shape_cast %reduce_sum3A_6 : vector<16xf32> to vector<16x1xf32>
    %mul3A_7 = arith.mulf %mul3A_5, %mul3A_5 : vector<16x12544xf32>
    %reduce_sum3A_8 = arith.constant dense<0.000000e+00> : vector<16xf32>
    %reduce_sum3A_9 = vector.multi_reduction <add>, %mul3A_7, %reduce_sum3A_8 [1] : vector<16x12544xf32> to vector<16xf32>
    %broadcast_in_dim3A_10 = vector.shape_cast %reduce_sum3A_9 : vector<16xf32> to vector<16x1xf32>
    %iota3A = tpu.iota {dimensions = array<i32: 1>} : vector<16x128xi32>
    %broadcast_in_dim3A_11 = arith.constant 0.000000e+00 : f32
    %broadcast_in_dim3A_12 = vector.broadcast %broadcast_in_dim3A_11 : f32 to vector<16x128xf32>
    %eq3A = arith.constant 0 : i32
    %eq3A_13 = vector.broadcast %eq3A : i32 to vector<16x128xi32>
    %eq3A_14 = arith.cmpi eq, %iota3A, %eq3A_13 : vector<16x128xi32>
    %broadcast_in_dim3A_15 = vector.shape_cast %broadcast_in_dim3A : vector<16x1xf32> to vector<16x1xf32>
    %broadcast_in_dim3A_16 = vector.broadcast %broadcast_in_dim3A_15 : vector<16x1xf32> to vector<16x128xf32>
    %select_n3A = arith.select %eq3A_14, %broadcast_in_dim3A_16, %broadcast_in_dim3A_12 : vector<16x128xi1>, vector<16x128xf32>
    %eq3A_17 = arith.constant 1 : i32
    %eq3A_18 = vector.broadcast %eq3A_17 : i32 to vector<16x128xi32>
    %eq3A_19 = arith.cmpi eq, %iota3A, %eq3A_18 : vector<16x128xi32>
    %broadcast_in_dim3A_20 = vector.shape_cast %broadcast_in_dim3A_10 : vector<16x1xf32> to vector<16x1xf32>
    %broadcast_in_dim3A_21 = vector.broadcast %broadcast_in_dim3A_20 : vector<16x1xf32> to vector<16x128xf32>
    %select_n3A_22 = arith.select %eq3A_19, %broadcast_in_dim3A_21, %broadcast_in_dim3A_12 : vector<16x128xi1>, vector<16x128xf32>
    %add3A = arith.addf %select_n3A, %select_n3A_22 : vector<16x128xf32>
    %eq3A_23 = arith.constant 0 : i32
    %eq3A_24 = arith.cmpi eq, %arg0, %eq3A_23 : i32
    %convert_element_type3A = arith.extui %eq3A_24 : i1 to i32
    %cond3A = arith.constant 0 : i32
    %cond3A_25 = arith.cmpi ne, %convert_element_type3A, %cond3A : i32
    scf.if %cond3A_25 {
      %swap3A = arith.constant 0 : index
      %swap3A_30 = arith.constant 0 : index
      %swap3A_31 = vector.load %arg2[%swap3A, %swap3A_30] : memref<16x128xf32, #tpu.memory_space<vmem>>, vector<16x128xf32>
      tpu.vector_store %arg2[%swap3A, %swap3A_30], %add3A {strides = array<i32>} : memref<16x128xf32, #tpu.memory_space<vmem>>, vector<16x128xf32>,
    } else {
    }
    %ne3A = arith.constant 0 : i32
    %ne3A_26 = arith.cmpi ne, %arg0, %ne3A : i32
    %convert_element_type3A_27 = arith.extui %ne3A_26 : i1 to i32
    %cond3A_28 = arith.constant 0 : i32
    %cond3A_29 = arith.cmpi ne, %convert_element_type3A_27, %cond3A_28 : i32
    scf.if %cond3A_29 {
      %get3A_30 = arith.constant 0 : index
      %get3A_31 = arith.constant 0 : index
      %get3A_32 = vector.load %arg2[%get3A_30, %get3A_31] : memref<16x128xf32, #tpu.memory_space<vmem>>, vector<16x128xf32>
      %add3A_33 = arith.addf %get3A_32, %add3A : vector<16x128xf32>
      %swap3A = arith.constant 0 : index
      %swap3A_34 = arith.constant 0 : index
      %swap3A_35 = vector.load %arg2[%swap3A, %swap3A_34] : memref<16x128xf32, #tpu.memory_space<vmem>>, vector<16x128xf32>
      tpu.vector_store %arg2[%swap3A, %swap3A_34], %add3A_33 {strides = array<i32>} : memref<16x128xf32, #tpu.memory_space<vmem>>, vector<16x128xf32>,
    } else {
    }
    return
  }
  func.func @transform_0(%arg0: i32) -> (i32, i32, i32) {
    %c0_i32 = arith.constant 0 : i32
    %c0_i32_0 = arith.constant 0 : i32
    %c0_i32_1 = arith.constant 0 : i32
    return %arg0, %c0_i32, %c0_i32_0 : i32, i32, i32
  }
  func.func @transform_1(%arg0: i32) -> (i32, i32) {
    %c0_i32 = arith.constant 0 : i32
    %c0_i32_0 = arith.constant 0 : i32
    %c0_i32_1 = arith.constant 0 : i32
    return %c0_i32, %c0_i32_0 : i32, i32
  }
}

module attributes {stable_mosaic.version = 14 : i64} {
  func.func @_bnrelu_body(%arg0: i32, %arg1: memref<1x16x12544xf32, #tpu.memory_space<vmem>>, %arg2: memref<16x1xf32, #tpu.memory_space<vmem>>, %arg3: memref<16x1xf32, #tpu.memory_space<vmem>>, %arg4: memref<1x16x12544xf32, #tpu.memory_space<vmem>>) attributes {dimension_semantics = [#tpu.dimension_semantics<arbitrary>], iteration_bounds = array<i64: 8>, scalar_prefetch = 0 : i64, scratch_operands = 0 : i64, tpu.core_type = #tpu.core_type<tc>, window_params = [{transform_indices = @transform_0, window_bounds = array<i64: 1, 16, 12544>}, {pipeline_mode = #tpu.pipeline_mode<synchronous>, transform_indices = @transform_1, window_bounds = array<i64: 16, 1>}, {pipeline_mode = #tpu.pipeline_mode<synchronous>, transform_indices = @transform_2, window_bounds = array<i64: 16, 1>}, {transform_indices = @transform_3, window_bounds = array<i64: 1, 16, 12544>}]} {
    %get3A = arith.constant 0 : index
    %get3A_0 = arith.constant 0 : index
    %get3A_1 = arith.constant 0 : index
    %get3A_2 = vector.load %arg1[%get3A, %get3A_0, %get3A_1] : memref<1x16x12544xf32, #tpu.memory_space<vmem>>, vector<1x16x12544xf32>
    %get3A_3 = vector.shape_cast %get3A_2 : vector<1x16x12544xf32> to vector<16x12544xf32>
    %get3A_4 = arith.constant 0 : index
    %get3A_5 = arith.constant 0 : index
    %get3A_6 = vector.load %arg2[%get3A_4, %get3A_5] : memref<16x1xf32, #tpu.memory_space<vmem>>, vector<16x1xf32>
    %mul3A = vector.broadcast %get3A_6 : vector<16x1xf32> to vector<16x12544xf32>
    %mul3A_7 = arith.mulf %get3A_3, %mul3A : vector<16x12544xf32>
    %get3A_8 = arith.constant 0 : index
    %get3A_9 = arith.constant 0 : index
    %get3A_10 = vector.load %arg3[%get3A_8, %get3A_9] : memref<16x1xf32, #tpu.memory_space<vmem>>, vector<16x1xf32>
    %add3A = vector.broadcast %get3A_10 : vector<16x1xf32> to vector<16x12544xf32>
    %add3A_11 = arith.addf %mul3A_7, %add3A : vector<16x12544xf32>
    %max3A = arith.constant 0.000000e+00 : f32
    %max3A_12 = vector.broadcast %max3A : f32 to vector<16x12544xf32>
    %max3A_13 = arith.maximumf %add3A_11, %max3A_12 : vector<16x12544xf32>
    %swap3A = arith.constant 0 : index
    %swap3A_14 = arith.constant 0 : index
    %swap3A_15 = arith.constant 0 : index
    %swap3A_16 = vector.load %arg4[%swap3A, %swap3A_14, %swap3A_15] : memref<1x16x12544xf32, #tpu.memory_space<vmem>>, vector<1x16x12544xf32>
    %swap3A_17 = vector.shape_cast %swap3A_16 : vector<1x16x12544xf32> to vector<16x12544xf32>
    %swap3A_18 = vector.shape_cast %max3A_13 : vector<16x12544xf32> to vector<1x16x12544xf32>
    tpu.vector_store %arg4[%swap3A, %swap3A_14, %swap3A_15], %swap3A_18 {strides = array<i32>} : memref<1x16x12544xf32, #tpu.memory_space<vmem>>, vector<1x16x12544xf32>,
    return
  }
  func.func @transform_0(%arg0: i32) -> (i32, i32, i32) {
    %c0_i32 = arith.constant 0 : i32
    %c0_i32_0 = arith.constant 0 : i32
    %c0_i32_1 = arith.constant 0 : i32
    return %arg0, %c0_i32, %c0_i32_0 : i32, i32, i32
  }
  func.func @transform_1(%arg0: i32) -> (i32, i32) {
    %c0_i32 = arith.constant 0 : i32
    %c0_i32_0 = arith.constant 0 : i32
    %c0_i32_1 = arith.constant 0 : i32
    return %c0_i32, %c0_i32_0 : i32, i32
  }
  func.func @transform_2(%arg0: i32) -> (i32, i32) {
    %c0_i32 = arith.constant 0 : i32
    %c0_i32_0 = arith.constant 0 : i32
    %c0_i32_1 = arith.constant 0 : i32
    return %c0_i32, %c0_i32_0 : i32, i32
  }
  func.func @transform_3(%arg0: i32) -> (i32, i32, i32) {
    %c0_i32 = arith.constant 0 : i32
    %c0_i32_0 = arith.constant 0 : i32
    %c0_i32_1 = arith.constant 0 : i32
    return %arg0, %c0_i32, %c0_i32_0 : i32, i32, i32
  }
}

</mosaic_0001>

<sc_bundles>
// kernel: scatter_offload_async_start.1
scs
__scs_entry_jumppad:
0x0: {  	(pc) =	sbr.rel $0x88, $3  }
0x1: {  	(tag) =	ssettag $0x0;
	lr =	simm.s32 $0x1  }
0x2: {  	[smem:$0x3F89] =	sst lr;
	_ =	strace $0xD0000000  }
0x3: {  	_ = 	snop  }
0x4: {  	_ = 	snop  }
0x5: {  	_ = 	snop  }
0x6: {  	_ = 	snop  }
0x7: {  	_ = 	snop  }
__scs_overlays_trampoline_lowered:
0x8: {  	[smem:$0x3F98] =	sst s0  }
0x9: {  	[smem:$0x3F99] =	sst s1  }
0xa: {  	[smem:$0x3F9A] =	sst s2  }
0xb: {  	[smem:$0x3F9B] =	sst s3  }
0xc: {  	[smem:$0x3F9C] =	sst s4  }
0xd: {  	[smem:$0x3F9D] =	sst s5  }
0xe: {  	[smem:$0x3F9E] =	sst s6  }
0xf: {  	[smem:$0x3F9F] =	sst s7  }
0x10: {  	[smem:$0x3FA0] =	sst s8  }
0x11: {  	[smem:$0x3FA1] =	sst s9;
	s0 =	simm.s32 @!p0 $0x0  }
0x12: {  	s1 =	sld [smem:$0x3F87];
	s0 =	simm.s32 @p0 $0x1  }
0x13: {  	[smem:$0x3FA2] =	sst s0;
	s0 =	simm.s32 @!p1 $0x0  }
0x14: {  	s2 =	sld [smem:$0x3F86];
	s0 =	simm.s32 @p1 $0x1  }
0x15: {  	[smem:$0x3FA3] =	sst s0;
	s0 =	simm.s32 @!p2 $0x0  }
0x16: {  	s3 =	sld [smem:$0x3FDB];
	s0 =	simm.s32 @p2 $0x1  }
0x17: {  	s4 =	simm.s32 $0x1BF5;
	[smem:$0x3FA5] =	sst s0  }
0x18: {  	s0 =	sld [smem:$0x3F88];
	_ =	swait.ge [sflag:s4], $0x0  }
0x19: {  	s7 =	sld [smem:$0x3F89]  }
0x1a: {  	s8 =	sadd.s32 $0xFFFFE003, lr  }
0x1b: {  	s9 =	sadd.s32 $0xFFFFFEF7, lr;
	s5 =	simm.s32 $0xFFFFFFFF;
	p2 =	slt.u32 s8, $0xFFFFF086  }
0x1c: {  	p1 =	slt.u32 s9, $0xF7A;
	s5 =	simm.s32 @!p2 $0x0  }
0x1d: {  	s5 =	simm.s32 @p1 $0x1;
	p0 =	seq.s32 s7, s2  }
0x1e: {  	s7 =	smul.u32 @!p0 $0xF7A, s2;
	p2 =	seq.s32 @!p0 s5, $0x0  }
0x1f: {  	s9 =	smul.u32 $0xF7A, s1;
	s8 =	simm.s32 @!p0 $0x1BF5;
	p2 =	por !p2, p0  }
0x20: {  	[sflag:s8] =	ssyncset.s32 @!p0 $0xFFFFF086;
	s6 =	sadd.s32 @!p0 s3, s7;
	s7 =	simm.s32 @!p0 $0x108  }
0x21: {  	s3 =	sadd.s32 s3, s9;
	s6 =	sadd.s32 @!p0 $0x88, s6;
	s7 =	simm.s32 @p2 $0x1082  }
0x22: {  	[simem:s7], [sflag:s8] =	dma.local @!p0 [hbm:s6], $0xF7A  }
0x23: {  	s9 =	sor.u32 $0xD0000000, s2;
	s6 =	simm.s32 $0x108;
	_ =	swait.ge @!p0 [sflag:s8], $0x0  }
0x24: {  	s3 =	sadd.s32 $0x88, s3;
	s6 =	simm.s32 @!p1 $0x1082;
	[sflag:s4] =	ssyncset.s32 $0xFFFFF086  }
0x25: {  	[simem:s6], [sflag:s4] =	dma.local [hbm:s3], $0xF7A  }
0x26: {  	[smem:$0x3F89] =	sst s1;
	(tag) =	ssettag s2;
	_ =	strace s9  }
0x27: {  	s1 =	sld [smem:$0x3F99]  }
0x28: {  	s2 =	sld [smem:$0x3F9A]  }
0x29: {  	s4 =	sld [smem:$0x3F9C]  }
0x2a: {  	p0 =	seq.s32 s5, $0x0;
	s5 =	sld [smem:$0x3F9D]  }
0x2b: {  	s6 =	sld [smem:$0x3F9E]  }
0x2c: {  	s7 =	sld [smem:$0x3F9F]  }
0x2d: {  	s3 =	simm.s32 $0x108;
	s8 =	sld [smem:$0x3FA0]  }
0x2e: {  	s3 =	simm.s32 @!p0 $0x1082;
	s9 =	sld [smem:$0x3FA1]  }
0x2f: {  	lr =	sadd.s32 s0, s3;
	s0 =	sld [smem:$0x3F98]  }
0x30: {  	s3 =	sld [smem:$0x3F9B]  }
0x31: {  	[smem:$0x3FA4] =	sst s10  }
0x32: {  	s10 =	sld [smem:$0x3FA2];
	_ =	sdelay $0x3  }
0x33: {  	p0 =	seq.s32 s10, $0x1;
	s10 =	sld [smem:$0x3FA4];
	_ =	sdelay $0x3  }
0x34: {  	[smem:$0x3FA4] =	sst s10  }
0x35: {  	s10 =	sld [smem:$0x3FA3];
	_ =	sdelay $0x3  }
0x36: {  	p1 =	seq.s32 s10, $0x1;
	s10 =	sld [smem:$0x3FA4];
	_ =	sdelay $0x3  }
0x37: {  	[smem:$0x3FA4] =	sst s10  }
0x38: {  	s10 =	sld [smem:$0x3FA5]  }
0x39: {  	_ = 	snop;
	(pc) =	sbr.ind lr, $3  }
0x3a: {  	_ = 	snop  }
0x3b: {  	_ = 	snop  }
0x3c: {  	p2 =	seq.s32 s10, $0x1;
	s10 =	sld [smem:$0x3FA4]  }
0x3d: {  	_ =	shalt  }
0x3e: {  	_ =	shalt  }
0x3f: {  	_ =	shalt  }
0x40: {  	_ =	shalt  }
0x41: {  	_ =	shalt  }
0x42: {  	_ =	shalt  }
0x43: {  	_ =	shalt  }
0x44: {  	_ =	shalt  }
0x45: {  	_ =	shalt  }
0x46: {  	_ =	shalt  }
0x47: {  	_ =	shalt  }
0x48: {  	_ =	shalt  }
0x49: {  	_ =	shalt  }
0x4a: {  	_ =	shalt  }
0x4b: {  	_ =	shalt  }
0x4c: {  	_ =	shalt  }
0x4d: {  	_ =	shalt  }
0x4e: {  	_ =	shalt  }
0x4f: {  	_ =	shalt  }
0x50: {  	_ =	shalt  }
0x51: {  	_ =	shalt  }
0x52: {  	_ =	shalt  }
0x53: {  	_ =	shalt  }
0x54: {  	_ =	shalt  }
0x55: {  	_ =	shalt  }
0x56: {  	_ =	shalt  }
0x57: {  	_ =	shalt  }
0x58: {  	_ =	shalt  }
0x59: {  	_ =	shalt  }
0x5a: {  	_ =	shalt  }
0x5b: {  	_ =	shalt  }
0x5c: {  	_ =	shalt  }
0x5d: {  	_ =	shalt  }
0x5e: {  	_ =	shalt  }
0x5f: {  	_ =	shalt  }
0x60: {  	_ =	shalt  }
0x61: {  	_ =	shalt  }
0x62: {  	_ =	shalt  }
0x63: {  	_ =	shalt  }
0x64: {  	_ =	shalt  }
0x65: {  	_ =	shalt  }
0x66: {  	_ =	shalt  }
0x67: {  	_ =	shalt  }
0x68: {  	_ =	shalt  }
0x69: {  	_ =	shalt  }
0x6a: {  	_ =	shalt  }
0x6b: {  	_ =	shalt  }
0x6c: {  	_ =	shalt  }
0x6d: {  	_ =	shalt  }
0x6e: {  	_ =	shalt  }
0x6f: {  	_ =	shalt  }
0x70: {  	_ =	shalt  }
0x71: {  	_ =	shalt  }
0x72: {  	_ =	shalt  }
0x73: {  	_ =	shalt  }
0x74: {  	_ =	shalt  }
0x75: {  	_ =	shalt  }
0x76: {  	_ =	shalt  }
0x77: {  	_ =	shalt  }
0x78: {  	_ =	shalt  }
0x79: {  	_ =	shalt  }
0x7a: {  	_ =	shalt  }
0x7b: {  	_ =	shalt  }
0x7c: {  	_ =	shalt  }
0x7d: {  	_ =	shalt  }
0x7e: {  	_ =	shalt  }
0x7f: {  	_ =	shalt  }
0x80: {  	_ =	shalt  }
0x81: {  	_ =	shalt  }
0x82: {  	_ =	shalt  }
0x83: {  	_ =	shalt  }
0x84: {  	_ =	shalt  }
0x85: {  	_ =	shalt  }
0x86: {  	_ =	shalt  }
0x87: {  	_ =	shalt  }
.Lfunc_end0:
.L_simem_size_0:
called_computation.1_lowered:
.L_overlay_start_0:
0x88: {  	s2 =	sld [smem:$0x3FD9]  }
0x89: {  	s3 =	sld [smem:$0x3FFE];
	_ =	sdelay $0x1  }
0x8a: {  	s1 =	srdreg.scid  }
0x8b: {  	s0 =	sand.u32 $0x1, s1  }
0x8c: {  	s14 =	sshll.u32 s0, $0xA;
	s2 =	sadd.s32 s3, s2  }
0x8d: {  	s2 =	sadd.s32 s2, s14  }
0x8e: {  	[smem:$0x3FB0] =	sst s2  }
0x8f: {  	_ = 	snop  }
0x90: {  	s2 =	sld [smem:$0x3FD0];
	_ =	sdelay $0x2  }
0x91: {  	s15 =	simm.s32 $0xA;
	s4 =	simm.s32 $0x10  }
0x92: {  	[smem:s4], [sflag:s15] =	dma.local [hbm:s2], $0x1  }
0x93: {  	_ =	swait.eq [sflag:s15], $0x1  }
0x94: {  	[sflag:s15] =	ssyncset.done $0x0  }
0x95: {  	s16 =	sld [smem:$0x10];
	[sflag:s15] =	ssyncadd.s32 $0xFFFFFFFF  }
0x96: {  	s17 =	sld [smem:$0x11];
	(tm) =	ssettm $0x1  }
0x97: {  	s18 =	sld [smem:$0x3FFB];
	_ =	sdelay $0x3  }
0x98: {  	_ =	strace s18  }
0x99: {  	s4 =	sld [smem:$0x3FFC];
	_ =	sdelay $0x3  }
0x9a: {  	_ =	strace s4  }
0x9b: {  	s4 =	sld [smem:$0x3FFD];
	_ =	sdelay $0x3  }
0x9c: {  	_ =	strace s4  }
0x9d: {  	_ =	strace $0x8FFFFFFF  }
0x9e: {  	s19 =	sld [smem:$0x3FDB];
	_ =	sdelay $0x1  }
0x9f: {  	s5 =	simm.s32 $_scs_section_size  }
0xa0: {  	s6 =	simm.s32 $_size__tile_overlayer_lowered;
	s7 =	simm.s32 $_tile_overlayer_lowered  }
0xa1: {  	s22 =	simm.s32 $0x1BFF;
	s21 =	sshll.u32 s7, $0x1;
	s4 =	sadd.s32 s5, s19  }
0xa2: {  	s8 =	simm.s32 $0x0;
	s20 =	sshll.u32 s6, $0x1;
	s6 =	sadd.s32 s21, s4  }
0xa3: {  	[timem:s8], [sflag:s22] =	dma.local [hbm:s6], s20  }
0xa4: {  	_ =	swait.ge [sflag:s22], s20  }
0xa5: {  	s5 =	ssub.s32 $0x0, s20;
	[sflag:s22] =	ssyncset.done $0x0  }
0xa6: {  	[sflag:s22] =	ssyncadd.s32 s5;
	_ =	sdelay $0x1  }
0xa7: {  	s23 =	simm.s32 $0x1B8B  }
0xa8: {  	_ =	swait.ge [sflag:s23], $0x1  }
0xa9: {  	[sflag:s23] =	ssyncset.done $0x0  }
0xaa: {  	s25 =	simm.s32 $0x1B8E;
	s24 =	sld [smem:$0x3FFE];
	[sflag:s23] =	ssyncadd.s32 $0xFFFFFFFF  }
0xab: {  	s26 =	simm.s32 $execute0_lowered;
	[smem:$0x3FD2] =	sst s25  }
0xac: {  	s6 =	sshll.u32 s26, $0x1;
	_ =	strace $0x80000049;
	[dreg:$0x1] =	wrdreg $0xFFFFFFFF  }
0xad: {  	s28 =	simm.s32 $_size_execute0_lowered;
	s4 =	sadd.s32 s4, s6;
	[dreg:$0x0] =	wrdreg $0x0  }
0xae: {  	s6 =	sshll.u32 s28, $0x1;
	[dreg:$0x2] =	wrdreg s4  }
0xaf: {  	[dreg:$0x3] =	wrdreg s6  }
0xb0: {  	[dreg:$0x4] =	wrdreg $0xC0  }
0xb1: {  	_ =	task [dreg:s8], $0x5FFFF  }
0xb2: {  	[dreg:$0x1] =	wrdreg $0xFFFFFFFF  }
0xb3: {  	[dreg:$0x0] =	wrdreg $0x60  }
0xb4: {  	[dreg:$0x2] =	wrdreg s24  }
0xb5: {  	[dreg:$0x3] =	wrdreg s17  }
0xb6: {  	[dreg:$0x4] =	wrdreg s16  }
0xb7: {  	[dreg:$0x5] =	wrdreg s1  }
0xb8: {  	[dreg:$0x6] =	wrdreg $0x9  }
0xb9: {  	_ =	task.clear_ibuf [dreg:s8], $0x7FFFF;
	_ =	strace $0x90000049  }
0xba: {  	s29 =	simm.s32 $0x9;
	_ =	strace $0x8000004B  }
0xbb: {  	_ =	swait.ge [sflag:s29], $0x1  }
0xbc: {  	[sflag:s29] =	ssyncadd.s32 $0xFFFFFFFF  }
0xbd: {  	_ =	strace $0x9000004B  }
0xbe: {  	_ =	sfence  }
0xbf: {  	s30 =	sld [smem:$0x0];
	_ =	sdelay $0x2  }
0xc0: {  	s31 =	sshll.u32 s1, $0xD;
	s1 =	sshrl.u32 s1, $0x2  }
0xc1: {  	s3 =	sand.u32 $0x4000, s31;
	s1 =	sadd.s32 s1, s30  }
0xc2: {  	s0 =	sor.u32 s3, s0;
	s1 =	sshll.u32 s1, $0x11  }
0xc3: {  	s0 =	sor.u32 s1, s0  }
0xc4: {  	s0 =	sadd.s32 $0x8F2B, s0  }
0xc5: {  	[sflag:s0] =	ssyncadd.remote.s32 $0x1  }
0xc6: {  	_ =	sfence.sel $0xFFFF  }
0xc7: {  	[dreg:$0x0] =	wrdreg $0xFFFFFFFF;
	(pc) =	sbr.abs _section_cstart, $3  }
0xc8: {  	[dreg:$0x1] =	wrdreg $0xFFFFFFFF  }
0xc9: {  	_ =	task.clear_ibuf [dreg:s8], $0x2FFFF;
	_ =	strace $0x9FFFFFFF  }
0xca: {  	(tm) =	ssettm $0x7FFFFFFF  }
0xcb: {  	_ =	shalt  }
tec
execute0_lowered:
.L_overlay_start_1:
0x0: {  	(tag) =	ssettag $0x1  }
0x1: {  	s1 =	stileid.u32  }
0x2: {  	s4 =	smul.u32 $0xC, s1  }
0x3: {  	s5 =	smin.u32 s1, $0x4  }
0x4: {  	s7 =	simm.s32 $0x1A0;
	p0 =	slt.u32 s1, $0x4;
	s4 =	sadd.s32 s5, s4  }
0x5: {  	s7 =	simm.s32 @!p0 $0x180;
	s5 =	sshll.u32 s4, $0x5  }
0x6: {  	s3 =	rddreg [dreg:$0x3];
	s4 =	sadd.s32 s7, s5  }
0x7: {  	s2 =	rddreg [dreg:$0x0];
	s3 =	sand.u32 $0x1, s3;
	s8 =	smin.u32 s4, $0x1880  }
0x8: {  	s9 =	simm.s32 $0x1880;
	p0 =	seq.s32 s3, $0x1;
	s7 =	ssub.s32 s8, s5  }
0x9: {  	s6 =	rddreg [dreg:$0x1];
	s9 =	simm.s32 @!p0 $0x0;
	p0 =	sgt.s32 s7, $0x0  }
0xa: {  	s10 =	rddreg [dreg:$0x2];
	s7 =	simm.s32 @!p0 $0x0  }
0xb: {  	s11 =	sshll.u32 s9, $0x7;
	s12 =	sshrl.u32 s9, $0x3;
	s9 =	sshrl.u32 s7, $0x5  }
0xc: {  	s7 =	sadd.s32 s12, s6;
	s6 =	sadd.s32 s11, s10;
	s10 =	sadd.s32 $0x1, s9  }
0xd: {  	s0 =	rddreg [dreg:$0x4];
	p2 =	sne.s32 s10, $0x1  }
.Ltmp0:
0xe: {  	_ =	strace $0x8000004A;
	s3 =	simm.s32 $0x1;
	(pc) =	sbr.rel @!p2 .LBB2_1-.Ltmp0, $4  }
0xf: {  	p1 =	por $0x0, $0x0;
	[sflag:s3] =	ssyncpa.u1 $0x0;
	s4 =	simm.s32 $0x2  }
0x10: {  	s2 =	sadd.s32 $0x1AE00, s2;
	(ifvalue) =	ssetifvalue $0x3090400;
	[sflag:s4] =	ssyncpa.u1 $0x0  }
0x11: {  	p0 =	por $0x1, $0x1;
	s12 =	simm.s32 $0x0;
	p3 =	sle.u32 s9, $0x0  }
0x12: {  	s11 =	simm.s32 $0x1;
	s14 =	sxor.u32 @!p3 $0xFFFFFFFF, s12;
	s13 =	simm.s32 @!p3 $0x0  }
0x13: {  	s14 =	sand.u32 @!p3 $0x1, s14  }
0x14: {  	s15 =	sshrl.u32 @!p3 s5, $0x3;
	s17 =	sshll.u32 @!p3 s5, $0x7;
	s18 =	sand.u32 @!p3 $0x7, s5  }
0x15: {  	s16 =	sshll.u32 @!p3 s14, $0x5;
	s14 =	sshll.u32 @!p3 s14, $0xC;
	s15 =	sadd.s32 @!p3 s15, s7  }
0x16: {  	[tilespmem:s16], [sflag:$0x2] =	stream.linear.gather @!p3 [hbm4b:s15+s18], $0x20, $0x38;
	[tilespmem:$0x2060] =	vst v63  }
0x17: {  	s15 =	sadd.s32 @!p3 s17, s6;
	s14 =	sor.u32 @!p3 $0x40, s14;
	s16 =	simm.s32 @!p0 $0x2  }
0x18: {  	[tilespmem:s14], [sflag:$0x2] =	stream.linear.gather @!p3 [hbm4b:s15+s13], $0x1000, $0x38;
	[tilespmem:$0x2060] =	vst v63  }
0x19: {  	_ =	swait.ge @!p0 [sflag:s16], $0x1020  }
0x1a: {  	s12 =	sand.u32 @!p0 $0x1, s12;
	[sflag:s16] =	ssyncset.done @!p0 $0x0  }
0x1b: {  	p2 =	por p0, p0;
	s13 =	sshll.u32 @!p0 s12, $0x5;
	[sflag:s16] =	ssyncadd.s32 @!p0 $0xFFFFEFE0  }
0x1c: {  	v0 =	vld.msk @!p2 [tilespmem:s13+$0x0 ss:$0x1], $0xffff;
	_ =	sdelay $0x4  }
0x1d: {  	v0 =	vshll.u32 @!p2 v0, $0xA  }
0x1e: {  	v0 =	vmin.u32 @!p2 v0, $0x3090400  }
0x1f: {  	v0 =	vshrl.u32 @!p2 v0, $0x7  }
0x20: {  	s13 =	sor.u32 @!p0 $0x10, s13;
	[tilespmem:$0x2040] =	vst @!p2 v0  }
0x21: {  	v0 =	vld.msk @!p2 [tilespmem:s13+$0x0 ss:$0x1], $0xffff;
	_ =	sdelay $0x3  }
0x22: {  	p4 =	sne.s32 s10, $0x2  }
0x23: {  	p1 =	por $0x1, $0x1;
	s17 =	simm.s32 @!p2 $0x2040;
	s12 =	sshll.u32 @!p0 s12, $0xC;
	v0 =	vshll.u32 @!p2 v0, $0xA  }
.Ltmp1:
0x24: {  	s14 =	simm.s32 @!p2 $0x20;
	s16 =	sadd.s32 $0x20, s5;
	v0 =	vmin.u32 @!p2 v0, $0x3090400;
	(pc) =	sbr.rel @!p4 .LBB2_3-.Ltmp1, $4  }
0x25: {  	s15 =	simm.s32 @!p2 $0x1;
	p3 =	sle.u32 s9, $0x1;
	p5 =	slt.s32 s16, s8;
	v0 =	vshrl.u32 @!p2 v0, $0x7  }
0x26: {  	s13 =	sor.u32 @!p0 $0x40, s12;
	s12 =	simm.s32 $0x2;
	[tilespmem:$0x2050] =	vst @!p2 v0;
	(ifvalue) =	ssetifvalue @!p2 $0x3090400  }
0x27: {  	[hbm:s2] =	stream.indirect.scatter @!p2 [tilespmem:s13], [sflag:$0x1], $0x80, s17, s14, $0x40b8;
	[tilespmem:$0x2060] =	vst v63  }
0x28: {  	p0 =	por $0x0, $0x0;
	s14 =	sxor.u32 @!p3 $0xFFFFFFFF, s11;
	s13 =	simm.s32 @!p3 $0x0  }
.LBB2_4:
0x29: {  	s17 =	sand.u32 @!p3 $0x1, s14;
	s14 =	smov.u32 s5  }
0x2a: {  	_ =	swait.ge @!p2 [sflag:s15], $0x1000;
	s14 =	smov.u32 @p5 s16  }
0x2b: {  	s18 =	sshll.u32 @!p3 s17, $0x5;
	s16 =	sshrl.u32 @!p3 s14, $0x3;
	[sflag:s15] =	ssyncset.done @!p2 $0x0  }
0x2c: {  	s17 =	sshll.u32 @!p3 s17, $0xC;
	s19 =	sshll.u32 @!p3 s14, $0x7;
	[sflag:s15] =	ssyncadd.s32 @!p2 $0xFFFFF000  }
0x2d: {  	s20 =	sand.u32 @!p3 $0x7, s14;
	s16 =	sadd.s32 @!p3 s16, s7;
	[sflag:s15] =	ssyncpa.u1 @!p2 $0x1  }
0x2e: {  	s11 =	sand.u32 @!p0 $0x1, s11;
	s17 =	sor.u32 @!p3 $0x40, s17;
	s15 =	sadd.s32 @!p3 s19, s6  }
0x2f: {  	[tilespmem:s18], [sflag:$0x2] =	stream.linear.gather @!p3 [hbm4b:s16+s20], $0x20, $0x38;
	[tilespmem:$0x2060] =	vst v63  }
0x30: {  	s16 =	simm.s32 @!p0 $0x2;
	s18 =	sshll.u32 @!p0 s11, $0x5;
	s11 =	sshll.u32 @!p0 s11, $0xC  }
0x31: {  	[tilespmem:s17], [sflag:$0x2] =	stream.linear.gather @!p3 [hbm4b:s15+s13], $0x1000, $0x38;
	[tilespmem:$0x2060] =	vst v63  }
0x32: {  	s13 =	sor.u32 @!p0 $0x10, s18;
	s17 =	sor.u32 @!p0 $0x40, s11;
	_ =	swait.ge @!p0 [sflag:s16], $0x1020  }
0x33: {  	s11 =	smov.u32 s12;
	s12 =	sadd.s32 $0x1, s12;
	[sflag:s16] =	ssyncset.done @!p0 $0x0  }
0x34: {  	p2 =	por p0, p0;
	p4 =	sne.s32 s10, s12;
	[sflag:s16] =	ssyncadd.s32 @!p0 $0xFFFFEFE0  }
0x35: {  	v0 =	vld.msk @!p2 [tilespmem:s18+$0x0 ss:$0x1], $0xffff;
	_ =	sdelay $0x5  }
0x36: {  	v0 =	vshll.u32 @!p2 v0, $0xA  }
0x37: {  	v0 =	vmin.u32 @!p2 v0, $0x3090400  }
0x38: {  	v0 =	vshrl.u32 @!p2 v0, $0x7  }
0x39: {  	[tilespmem:$0x2040] =	vst @!p2 v0  }
0x3a: {  	v0 =	vld.msk @!p2 [tilespmem:s13+$0x0 ss:$0x1], $0xffff;
	_ =	sdelay $0x5  }
0x3b: {  	v0 =	vshll.u32 @!p2 v0, $0xA  }
.Ltmp2:
0x3c: {  	s19 =	simm.s32 @!p2 $0x2040;
	s18 =	simm.s32 @!p2 $0x20;
	v0 =	vmin.u32 @!p2 v0, $0x3090400;
	(pc) =	sbr.rel @p4 .LBB2_4-.Ltmp2, $4  }
0x3d: {  	s15 =	simm.s32 @!p2 $0x1;
	s16 =	sadd.s32 $0x20, s14;
	v0 =	vshrl.u32 @!p2 v0, $0x7  }
0x3e: {  	p3 =	sge.u32 s11, s9;
	p0 =	seq.s32 s11, $0x0;
	p5 =	slt.s32 s16, s8;
	[tilespmem:$0x2050] =	vst @!p2 v0  }
0x3f: {  	s14 =	sxor.u32 @!p3 $0xFFFFFFFF, s11;
	s13 =	simm.s32 @!p3 $0x0;
	(ifvalue) =	ssetifvalue @!p2 $0x3090400  }
0x40: {  	[hbm:s2] =	stream.indirect.scatter @!p2 [tilespmem:s17], [sflag:$0x1], $0x80, s19, s18, $0x40b8;
	[tilespmem:$0x2060] =	vst v63  }
0x41: {  	s12 =	smov.u32 s11  }
.LBB2_6:
0x42: {  	p4 =	por !p5, !p1;
	p2 =	por p2, !p1;
	s8 =	sand.u32 @!p3 $0x1, s14  }
0x43: {  	s16 =	smov.u32 @p4 s5;
	_ =	swait.ge @!p2 [sflag:s15], $0x1000;
	s10 =	sshll.u32 @!p3 s8, $0x5  }
0x44: {  	s8 =	sshll.u32 @!p3 s8, $0xC;
	s5 =	smov.u32 @p1 s16;
	[sflag:s15] =	ssyncset.done @!p2 $0x0  }
0x45: {  	s9 =	sshrl.u32 @!p3 s5, $0x3;
	s11 =	sshll.u32 @!p3 s5, $0x7;
	[sflag:s15] =	ssyncadd.s32 @!p2 $0xFFFFF000  }
0x46: {  	s5 =	sand.u32 @!p3 $0x7, s5;
	s7 =	sadd.s32 @!p3 s9, s7;
	[sflag:s15] =	ssyncpa.u1 @!p2 $0x1  }
0x47: {  	[tilespmem:s10], [sflag:$0x2] =	stream.linear.gather @!p3 [hbm4b:s7+s5], $0x20, $0x38;
	[tilespmem:$0x2060] =	vst v63  }
0x48: {  	s5 =	sadd.s32 @!p3 s11, s6;
	s6 =	sor.u32 @!p3 $0x40, s8;
	s7 =	simm.s32 @!p0 $0x2  }
0x49: {  	[tilespmem:s6], [sflag:$0x2] =	stream.linear.gather @!p3 [hbm4b:s5+s13], $0x1000, $0x38;
	[tilespmem:$0x2060] =	vst v63  }
0x4a: {  	_ =	swait.ge @!p0 [sflag:s7], $0x1020  }
0x4b: {  	s5 =	sand.u32 @!p0 $0x1, s12;
	[sflag:s7] =	ssyncset.done @!p0 $0x0  }
0x4c: {  	p1 =	por p0, p0;
	s6 =	sshll.u32 @!p0 s5, $0x5;
	[sflag:s7] =	ssyncadd.s32 @!p0 $0xFFFFEFE0  }
0x4d: {  	v0 =	vld.msk @!p1 [tilespmem:s6+$0x0 ss:$0x1], $0xffff;
	_ =	sdelay $0x4  }
0x4e: {  	v0 =	vshll.u32 @!p1 v0, $0xA  }
0x4f: {  	v0 =	vmin.u32 @!p1 v0, $0x3090400  }
0x50: {  	v0 =	vshrl.u32 @!p1 v0, $0x7  }
0x51: {  	s6 =	sor.u32 @!p0 $0x10, s6;
	[tilespmem:$0x2040] =	vst @!p1 v0  }
0x52: {  	v0 =	vld.msk @!p1 [tilespmem:s6+$0x0 ss:$0x1], $0xffff;
	_ =	sdelay $0x4  }
0x53: {  	v0 =	vshll.u32 @!p1 v0, $0xA  }
0x54: {  	s5 =	sshll.u32 @!p0 s5, $0xC;
	v0 =	vmin.u32 @!p1 v0, $0x3090400  }
0x55: {  	s8 =	simm.s32 @!p1 $0x1;
	s5 =	sor.u32 @!p0 $0x40, s5;
	v0 =	vshrl.u32 @!p1 v0, $0x7  }
0x56: {  	s7 =	simm.s32 @!p1 $0x2040;
	s6 =	simm.s32 @!p1 $0x20;
	[tilespmem:$0x2050] =	vst @!p1 v0;
	(ifvalue) =	ssetifvalue @!p1 $0x3090400  }
0x57: {  	[hbm:s2] =	stream.indirect.scatter @!p1 [tilespmem:s5], [sflag:$0x1], $0x80, s7, s6, $0x40b8;
	[tilespmem:$0x2060] =	vst v63  }
0x58: {  	_ =	swait.ge @!p1 [sflag:s8], $0x1000  }
0x59: {  	[sflag:s8] =	ssyncset.done @!p1 $0x0  }
0x5a: {  	[sflag:s8] =	ssyncadd.s32 @!p1 $0xFFFFF000  }
0x5b: {  	[sflag:s8] =	ssyncpa.u1 @!p1 $0x1  }
0x5c: {  	_ =	sfence.sel $0x180000  }
0x5d: {  	[bflag:$0x0] =	sbarrier.arrive $0xFFFF  }
0x5e: {  	[sflag:s4] =	ssyncpa.u1 $0x1  }
0x5f: {  	[sflag:s3] =	ssyncpa.u1 $0x1  }
0x60: {  	p0 =	sne.s32 s1, $0x0;
	_ =	strace $0x9000004A  }
0x61: {  	s0 =	sadd.s32 @!p0 $0x100000, s0;
	[bflag:$0x2] =	sbarrier.arrive $0xFFFF  }
0x62: {  	[sflag:s0] =	ssyncadd.tile.s32 @!p0 $0x1;
	_ =	shalt  }
.LBB2_1:
.Ltmp3:
0x63: {  	(pc) =	sbr.rel .LBB2_6-.Ltmp3, $2  }
0x64: {  	_ =	sdelay $0x2  }
0x65: {  	_ = 	snop  }
.LBB2_3:
.Ltmp4:
0x66: {  	(pc) =	sbr.rel .LBB2_6-.Ltmp4, $2  }
0x67: {  	_ =	sdelay $0x2  }
0x68: {  	s12 =	simm.s32 $0x1  }
.Lfunc_end2:
_tile_overlayer_lowered:
.L_overlay_start_2:
0x69: {  	(tag) =	ssettag $0x2  }
0x6a: {  	s0 =	rddreg [dreg:$0x0];
	s2 =	stileid.u32  }
0x6b: {  	s1 =	rddreg [dreg:$0x1];
	p0 =	sne.s32 s2, $0x0  }
0x6c: {  	s3 =	rddreg [dreg:$0x2];
	[bflag:$0x3] =	sbarrier.arrive $0xFFFF;
	s2 =	simm.s32 @!p0 $0x1C01  }
0x6d: {  	[timem:s3], [sflag:s2] =	dma.local @!p0 [hbm:s0], s1  }
0x6e: {  	s0 =	simm.s32 @!p0 $0x1  }
0x6f: {  	_ =	swait.ge @!p0 [sflag:s0], s1  }
0x70: {  	s1 =	ssub.s32 @!p0 $0x0, s1;
	[sflag:s0] =	ssyncset.done @!p0 $0x0  }
0x71: {  	[sflag:s0] =	ssyncadd.s32 @!p0 s1  }
0x72: {  	[bflag:$0x3] =	sbarrier.arrive $0xFFFF  }
0x73: {  	_ =	shalt  }

// kernel: scatter_offload_async_start
scs
__scs_entry_jumppad:
0x0: {  	(pc) =	sbr.rel $0x88, $3  }
0x1: {  	(tag) =	ssettag $0x0;
	lr =	simm.s32 $0x1  }
0x2: {  	[smem:$0x3F89] =	sst lr;
	_ =	strace $0xD0000000  }
0x3: {  	_ = 	snop  }
0x4: {  	_ = 	snop  }
0x5: {  	_ = 	snop  }
0x6: {  	_ = 	snop  }
0x7: {  	_ = 	snop  }
__scs_overlays_trampoline_lowered:
0x8: {  	[smem:$0x3F98] =	sst s0  }
0x9: {  	[smem:$0x3F99] =	sst s1  }
0xa: {  	[smem:$0x3F9A] =	sst s2  }
0xb: {  	[smem:$0x3F9B] =	sst s3  }
0xc: {  	[smem:$0x3F9C] =	sst s4  }
0xd: {  	[smem:$0x3F9D] =	sst s5  }
0xe: {  	[smem:$0x3F9E] =	sst s6  }
0xf: {  	[smem:$0x3F9F] =	sst s7  }
0x10: {  	[smem:$0x3FA0] =	sst s8  }
0x11: {  	[smem:$0x3FA1] =	sst s9;
	s0 =	simm.s32 @!p0 $0x0  }
0x12: {  	s1 =	sld [smem:$0x3F87];
	s0 =	simm.s32 @p0 $0x1  }
0x13: {  	[smem:$0x3FA2] =	sst s0;
	s0 =	simm.s32 @!p1 $0x0  }
0x14: {  	s2 =	sld [smem:$0x3F86];
	s0 =	simm.s32 @p1 $0x1  }
0x15: {  	[smem:$0x3FA3] =	sst s0;
	s0 =	simm.s32 @!p2 $0x0  }
0x16: {  	s3 =	sld [smem:$0x3FDB];
	s0 =	simm.s32 @p2 $0x1  }
0x17: {  	s4 =	simm.s32 $0x1BF5;
	[smem:$0x3FA5] =	sst s0  }
0x18: {  	s0 =	sld [smem:$0x3F88];
	_ =	swait.ge [sflag:s4], $0x0  }
0x19: {  	s7 =	sld [smem:$0x3F89]  }
0x1a: {  	s8 =	sadd.s32 $0xFFFFE003, lr  }
0x1b: {  	s9 =	sadd.s32 $0xFFFFFEF7, lr;
	s5 =	simm.s32 $0xFFFFFFFF;
	p2 =	slt.u32 s8, $0xFFFFF086  }
0x1c: {  	p1 =	slt.u32 s9, $0xF7A;
	s5 =	simm.s32 @!p2 $0x0  }
0x1d: {  	s5 =	simm.s32 @p1 $0x1;
	p0 =	seq.s32 s7, s2  }
0x1e: {  	s7 =	smul.u32 @!p0 $0xF7A, s2;
	p2 =	seq.s32 @!p0 s5, $0x0  }
0x1f: {  	s9 =	smul.u32 $0xF7A, s1;
	s8 =	simm.s32 @!p0 $0x1BF5;
	p2 =	por !p2, p0  }
0x20: {  	[sflag:s8] =	ssyncset.s32 @!p0 $0xFFFFF086;
	s6 =	sadd.s32 @!p0 s3, s7;
	s7 =	simm.s32 @!p0 $0x108  }
0x21: {  	s3 =	sadd.s32 s3, s9;
	s6 =	sadd.s32 @!p0 $0x88, s6;
	s7 =	simm.s32 @p2 $0x1082  }
0x22: {  	[simem:s7], [sflag:s8] =	dma.local @!p0 [hbm:s6], $0xF7A  }
0x23: {  	s9 =	sor.u32 $0xD0000000, s2;
	s6 =	simm.s32 $0x108;
	_ =	swait.ge @!p0 [sflag:s8], $0x0  }
0x24: {  	s3 =	sadd.s32 $0x88, s3;
	s6 =	simm.s32 @!p1 $0x1082;
	[sflag:s4] =	ssyncset.s32 $0xFFFFF086  }
0x25: {  	[simem:s6], [sflag:s4] =	dma.local [hbm:s3], $0xF7A  }
0x26: {  	[smem:$0x3F89] =	sst s1;
	(tag) =	ssettag s2;
	_ =	strace s9  }
0x27: {  	s1 =	sld [smem:$0x3F99]  }
0x28: {  	s2 =	sld [smem:$0x3F9A]  }
0x29: {  	s4 =	sld [smem:$0x3F9C]  }
0x2a: {  	p0 =	seq.s32 s5, $0x0;
	s5 =	sld [smem:$0x3F9D]  }
0x2b: {  	s6 =	sld [smem:$0x3F9E]  }
0x2c: {  	s7 =	sld [smem:$0x3F9F]  }
0x2d: {  	s3 =	simm.s32 $0x108;
	s8 =	sld [smem:$0x3FA0]  }
0x2e: {  	s3 =	simm.s32 @!p0 $0x1082;
	s9 =	sld [smem:$0x3FA1]  }
0x2f: {  	lr =	sadd.s32 s0, s3;
	s0 =	sld [smem:$0x3F98]  }
0x30: {  	s3 =	sld [smem:$0x3F9B]  }
0x31: {  	[smem:$0x3FA4] =	sst s10  }
0x32: {  	s10 =	sld [smem:$0x3FA2];
	_ =	sdelay $0x3  }
0x33: {  	p0 =	seq.s32 s10, $0x1;
	s10 =	sld [smem:$0x3FA4];
	_ =	sdelay $0x3  }
0x34: {  	[smem:$0x3FA4] =	sst s10  }
0x35: {  	s10 =	sld [smem:$0x3FA3];
	_ =	sdelay $0x3  }
0x36: {  	p1 =	seq.s32 s10, $0x1;
	s10 =	sld [smem:$0x3FA4];
	_ =	sdelay $0x3  }
0x37: {  	[smem:$0x3FA4] =	sst s10  }
0x38: {  	s10 =	sld [smem:$0x3FA5]  }
0x39: {  	_ = 	snop;
	(pc) =	sbr.ind lr, $3  }
0x3a: {  	_ = 	snop  }
0x3b: {  	_ = 	snop  }
0x3c: {  	p2 =	seq.s32 s10, $0x1;
	s10 =	sld [smem:$0x3FA4]  }
0x3d: {  	_ =	shalt  }
0x3e: {  	_ =	shalt  }
0x3f: {  	_ =	shalt  }
0x40: {  	_ =	shalt  }
0x41: {  	_ =	shalt  }
0x42: {  	_ =	shalt  }
0x43: {  	_ =	shalt  }
0x44: {  	_ =	shalt  }
0x45: {  	_ =	shalt  }
0x46: {  	_ =	shalt  }
0x47: {  	_ =	shalt  }
0x48: {  	_ =	shalt  }
0x49: {  	_ =	shalt  }
0x4a: {  	_ =	shalt  }
0x4b: {  	_ =	shalt  }
0x4c: {  	_ =	shalt  }
0x4d: {  	_ =	shalt  }
0x4e: {  	_ =	shalt  }
0x4f: {  	_ =	shalt  }
0x50: {  	_ =	shalt  }
0x51: {  	_ =	shalt  }
0x52: {  	_ =	shalt  }
0x53: {  	_ =	shalt  }
0x54: {  	_ =	shalt  }
0x55: {  	_ =	shalt  }
0x56: {  	_ =	shalt  }
0x57: {  	_ =	shalt  }
0x58: {  	_ =	shalt  }
0x59: {  	_ =	shalt  }
0x5a: {  	_ =	shalt  }
0x5b: {  	_ =	shalt  }
0x5c: {  	_ =	shalt  }
0x5d: {  	_ =	shalt  }
0x5e: {  	_ =	shalt  }
0x5f: {  	_ =	shalt  }
0x60: {  	_ =	shalt  }
0x61: {  	_ =	shalt  }
0x62: {  	_ =	shalt  }
0x63: {  	_ =	shalt  }
0x64: {  	_ =	shalt  }
0x65: {  	_ =	shalt  }
0x66: {  	_ =	shalt  }
0x67: {  	_ =	shalt  }
0x68: {  	_ =	shalt  }
0x69: {  	_ =	shalt  }
0x6a: {  	_ =	shalt  }
0x6b: {  	_ =	shalt  }
0x6c: {  	_ =	shalt  }
0x6d: {  	_ =	shalt  }
0x6e: {  	_ =	shalt  }
0x6f: {  	_ =	shalt  }
0x70: {  	_ =	shalt  }
0x71: {  	_ =	shalt  }
0x72: {  	_ =	shalt  }
0x73: {  	_ =	shalt  }
0x74: {  	_ =	shalt  }
0x75: {  	_ =	shalt  }
0x76: {  	_ =	shalt  }
0x77: {  	_ =	shalt  }
0x78: {  	_ =	shalt  }
0x79: {  	_ =	shalt  }
0x7a: {  	_ =	shalt  }
0x7b: {  	_ =	shalt  }
0x7c: {  	_ =	shalt  }
0x7d: {  	_ =	shalt  }
0x7e: {  	_ =	shalt  }
0x7f: {  	_ =	shalt  }
0x80: {  	_ =	shalt  }
0x81: {  	_ =	shalt  }
0x82: {  	_ =	shalt  }
0x83: {  	_ =	shalt  }
0x84: {  	_ =	shalt  }
0x85: {  	_ =	shalt  }
0x86: {  	_ =	shalt  }
0x87: {  	_ =	shalt  }
.Lfunc_end0:
.L_simem_size_0:
called_computation_lowered:
.L_overlay_start_0:
0x88: {  	s2 =	sld [smem:$0x3FD9]  }
0x89: {  	s3 =	sld [smem:$0x3FFE];
	_ =	sdelay $0x1  }
0x8a: {  	s1 =	srdreg.scid  }
0x8b: {  	s0 =	sand.u32 $0x1, s1  }
0x8c: {  	s14 =	sshll.u32 s0, $0xA;
	s2 =	sadd.s32 s3, s2  }
0x8d: {  	s2 =	sadd.s32 s2, s14  }
0x8e: {  	[smem:$0x3FB0] =	sst s2  }
0x8f: {  	_ = 	snop  }
0x90: {  	s2 =	sld [smem:$0x3FD0];
	_ =	sdelay $0x2  }
0x91: {  	s15 =	simm.s32 $0xA;
	s4 =	simm.s32 $0x10  }
0x92: {  	[smem:s4], [sflag:s15] =	dma.local [hbm:s2], $0x1  }
0x93: {  	_ =	swait.eq [sflag:s15], $0x1  }
0x94: {  	[sflag:s15] =	ssyncset.done $0x0  }
0x95: {  	[sflag:s15] =	ssyncadd.s32 $0xFFFFFFFF  }
0x96: {  	s16 =	sld [smem:$0x10];
	(tm) =	ssettm $0x1  }
0x97: {  	s17 =	sld [smem:$0x3FFB];
	_ =	sdelay $0x3  }
0x98: {  	_ =	strace s17  }
0x99: {  	s3 =	sld [smem:$0x3FFC];
	_ =	sdelay $0x3  }
0x9a: {  	_ =	strace s3  }
0x9b: {  	s3 =	sld [smem:$0x3FFD];
	_ =	sdelay $0x3  }
0x9c: {  	_ =	strace s3  }
0x9d: {  	_ =	strace $0x8FFFFFFF  }
0x9e: {  	s18 =	sld [smem:$0x3FDB];
	_ =	sdelay $0x1  }
0x9f: {  	s19 =	simm.s32 $_scs_section_size  }
0xa0: {  	s5 =	simm.s32 $_size__tile_overlayer_lowered;
	s6 =	simm.s32 $_tile_overlayer_lowered  }
0xa1: {  	s22 =	simm.s32 $0x1BFF;
	s21 =	sshll.u32 s6, $0x1;
	s3 =	sadd.s32 s19, s18  }
0xa2: {  	s7 =	simm.s32 $0x0;
	s20 =	sshll.u32 s5, $0x1;
	s5 =	sadd.s32 s21, s3  }
0xa3: {  	[timem:s7], [sflag:s22] =	dma.local [hbm:s5], s20  }
0xa4: {  	_ =	swait.ge [sflag:s22], s20  }
0xa5: {  	s4 =	ssub.s32 $0x0, s20;
	[sflag:s22] =	ssyncset.done $0x0  }
0xa6: {  	[sflag:s22] =	ssyncadd.s32 s4;
	_ =	sdelay $0x1  }
0xa7: {  	s23 =	simm.s32 $0x1B8B  }
0xa8: {  	_ =	swait.ge [sflag:s23], $0x1  }
0xa9: {  	[sflag:s23] =	ssyncset.done $0x0  }
0xaa: {  	s25 =	simm.s32 $0x1B8E;
	s24 =	sld [smem:$0x3FFE];
	[sflag:s23] =	ssyncadd.s32 $0xFFFFFFFF  }
0xab: {  	s26 =	simm.s32 $execute0_lowered;
	[smem:$0x3FD2] =	sst s25  }
0xac: {  	s5 =	sshll.u32 s26, $0x1;
	_ =	strace $0x80000046;
	[dreg:$0x1] =	wrdreg $0xFFFFFFFF  }
0xad: {  	s28 =	simm.s32 $_size_execute0_lowered;
	s3 =	sadd.s32 s3, s5;
	[dreg:$0x0] =	wrdreg $0x0  }
0xae: {  	s5 =	sshll.u32 s28, $0x1;
	[dreg:$0x2] =	wrdreg s3  }
0xaf: {  	[dreg:$0x3] =	wrdreg s5  }
0xb0: {  	[dreg:$0x4] =	wrdreg $0xC0  }
0xb1: {  	_ =	task [dreg:s7], $0x5FFFF  }
0xb2: {  	[dreg:$0x1] =	wrdreg $0xFFFFFFFF  }
0xb3: {  	[dreg:$0x0] =	wrdreg $0x60  }
0xb4: {  	[dreg:$0x2] =	wrdreg s24  }
0xb5: {  	[dreg:$0x3] =	wrdreg s16  }
0xb6: {  	[dreg:$0x4] =	wrdreg s1  }
0xb7: {  	[dreg:$0x5] =	wrdreg $0x9  }
0xb8: {  	_ =	task.clear_ibuf [dreg:s7], $0x6FFFF;
	_ =	strace $0x90000046  }
0xb9: {  	s29 =	simm.s32 $0x9;
	_ =	strace $0x80000048  }
0xba: {  	_ =	swait.ge [sflag:s29], $0x1  }
0xbb: {  	[sflag:s29] =	ssyncadd.s32 $0xFFFFFFFF  }
0xbc: {  	_ =	strace $0x90000048  }
0xbd: {  	_ =	sfence  }
0xbe: {  	s30 =	sld [smem:$0x0];
	_ =	sdelay $0x2  }
0xbf: {  	s31 =	sshll.u32 s1, $0xD;
	s1 =	sshrl.u32 s1, $0x2  }
0xc0: {  	s3 =	sand.u32 $0x4000, s31;
	s1 =	sadd.s32 s1, s30  }
0xc1: {  	s0 =	sor.u32 s3, s0;
	s1 =	sshll.u32 s1, $0x11  }
0xc2: {  	s0 =	sor.u32 s1, s0  }
0xc3: {  	s0 =	sadd.s32 $0x8F2B, s0  }
0xc4: {  	[sflag:s0] =	ssyncadd.remote.s32 $0x1  }
0xc5: {  	_ =	sfence.sel $0xFFFF  }
0xc6: {  	[dreg:$0x0] =	wrdreg $0xFFFFFFFF;
	(pc) =	sbr.abs _section_cstart, $3  }
0xc7: {  	[dreg:$0x1] =	wrdreg $0xFFFFFFFF  }
0xc8: {  	_ =	task.clear_ibuf [dreg:s7], $0x2FFFF;
	_ =	strace $0x9FFFFFFF  }
0xc9: {  	(tm) =	ssettm $0x7FFFFFFF  }
tec
execute0_lowered:
.L_overlay_start_1:
0x0: {  	(tag) =	ssettag $0x1  }
0x1: {  	s1 =	stileid.u32  }
0x2: {  	s2 =	rddreg [dreg:$0x2];
	s3 =	smul.u32 $0x6, s1  }
0x3: {  	s7 =	simm.s32 $0x70;
	s2 =	sand.u32 $0x1, s2;
	s30 =	smin.u32 s1, $0x2  }
0x4: {  	p1 =	slt.u32 s1, $0x2;
	p0 =	seq.s32 s2, $0x1;
	s2 =	sadd.s32 s30, s3  }
0x5: {  	s9 =	simm.s32 $0x620;
	s7 =	simm.s32 @!p1 $0x60;
	s5 =	sshll.u32 s2, $0x4  }
0x6: {  	s9 =	simm.s32 @!p0 $0x0;
	s7 =	sadd.s32 s7, s5  }
0x7: {  	s4 =	rddreg [dreg:$0x0];
	s10 =	sshrl.u32 s9, $0x3;
	s8 =	smin.u32 s7, $0x620  }
0x8: {  	s31 =	sadd.s32 s10, s4;
	s10 =	ssub.s32 s8, s5  }
0x9: {  	p0 =	sgt.s32 s10, $0x0  }
0xa: {  	s10 =	simm.s32 @!p0 $0x0  }
0xb: {  	s6 =	rddreg [dreg:$0x1];
	s11 =	sshll.u32 s9, $0x7;
	s9 =	sshrl.u32 s10, $0x4  }
0xc: {  	s0 =	rddreg [dreg:$0x3];
	s10 =	sadd.s32 $0x1, s9  }
0xd: {  	_ =	strace $0x80000047;
	s12 =	simm.s32 $0x0;
	p3 =	sne.s32 s10, $0x1  }
.Ltmp0:
0xe: {  	p2 =	por $0x0, $0x0;
	s2 =	simm.s32 $0x1;
	(pc) =	sbr.rel @!p3 .LBB2_1-.Ltmp0, $4  }
0xf: {  	s3 =	sadd.s32 $0x1B000, s4;
	[sflag:s2] =	ssyncpa.u1 $0x0;
	(ifvalue) =	ssetifvalue $0xC08400  }
0x10: {  	s4 =	simm.s32 $0x2;
	s6 =	sadd.s32 s11, s6;
	s11 =	simm.s32 $0x1  }
0x11: {  	[sflag:s4] =	ssyncpa.u1 $0x0;
	s7 =	sadd.s32 $0x1AE00, s31;
	p1 =	sle.u32 s9, $0x0  }
0x12: {  	p0 =	por $0x1, $0x1;
	s16 =	sxor.u32 @!p1 $0xFFFFFFFF, s12;
	s13 =	simm.s32 @!p1 $0x0  }
0x13: {  	s14 =	sand.u32 @!p1 $0x1, s16  }
0x14: {  	s15 =	sshrl.u32 @!p1 s5, $0x3;
	s17 =	sshll.u32 @!p1 s5, $0x7;
	s18 =	sand.u32 @!p1 $0x7, s5  }
0x15: {  	s16 =	sshll.u32 @!p1 s14, $0x4;
	s14 =	sshll.u32 @!p1 s14, $0xC;
	s15 =	sadd.s32 @!p1 s15, s7  }
0x16: {  	[tilespmem:s16], [sflag:$0x2] =	stream.linear.gather @!p1 [hbm4b:s15+s18], $0x10, $0x38;
	[tilespmem:$0x2030] =	vst v63  }
0x17: {  	s15 =	sadd.s32 @!p1 s17, s6;
	s14 =	sor.u32 @!p1 $0x20, s14;
	s16 =	simm.s32 @!p0 $0x2  }
0x18: {  	[tilespmem:s14], [sflag:$0x2] =	stream.linear.gather @!p1 [hbm4b:s15+s13], $0x1000, $0x38;
	[tilespmem:$0x2030] =	vst v63  }
0x19: {  	_ =	swait.ge @!p0 [sflag:s16], $0x1010  }
0x1a: {  	p3 =	por p0, p0;
	s13 =	sand.u32 @!p0 $0x1, s12;
	[sflag:s16] =	ssyncset.done @!p0 $0x0  }
0x1b: {  	s12 =	sshll.u32 @!p3 s13, $0x4;
	[sflag:s16] =	ssyncadd.s32 @!p3 $0xFFFFEFF0  }
0x1c: {  	v0 =	vld.msk @!p3 [tilespmem:s12+$0x0 ss:$0x1], $0xffff;
	_ =	sdelay $0x3  }
0x1d: {  	p4 =	sne.s32 s10, $0x2  }
0x1e: {  	p2 =	por $0x1, $0x1;
	s17 =	simm.s32 @!p3 $0x2020;
	s14 =	simm.s32 @!p3 $0x1;
	v0 =	vshll.u32 @!p3 v0, $0xA  }
.Ltmp1:
0x1f: {  	s15 =	sadd.s32 $0x10, s5;
	s13 =	sshll.u32 @!p0 s13, $0xC;
	v0 =	vmin.u32 @!p3 v0, $0xC08400;
	(pc) =	sbr.rel @!p4 .LBB2_3-.Ltmp1, $4  }
0x20: {  	p1 =	sle.u32 s9, $0x1;
	p5 =	slt.s32 s15, s8;
	s13 =	sor.u32 @!p0 $0x20, s13;
	v0 =	vshrl.u32 @!p3 v0, $0x8  }
0x21: {  	p0 =	por $0x0, $0x0;
	s16 =	simm.s32 @!p3 $0x10;
	[tilespmem:$0x2020] =	vst @!p3 v0;
	(ifvalue) =	ssetifvalue @!p3 $0xC08400  }
0x22: {  	[hbm:s3] =	stream.indirect.scatter @!p3 [tilespmem:s13], [sflag:$0x1], $0x100, s17, s16, $0x40b8;
	[tilespmem:$0x2030] =	vst v63  }
0x23: {  	s12 =	simm.s32 $0x2;
	s16 =	sxor.u32 @!p1 $0xFFFFFFFF, s11;
	s13 =	simm.s32 @!p1 $0x0  }
.LBB2_4:
0x24: {  	s16 =	sand.u32 @!p1 $0x1, s16;
	s17 =	smov.u32 s5  }
0x25: {  	_ =	swait.ge @!p3 [sflag:s14], $0x1000;
	s17 =	smov.u32 @p5 s15;
	s15 =	smov.u32 s12  }
0x26: {  	s19 =	sshll.u32 @!p1 s16, $0x4;
	s18 =	sshrl.u32 @!p1 s17, $0x3;
	[sflag:s14] =	ssyncset.done @!p3 $0x0  }
0x27: {  	s16 =	sshll.u32 @!p1 s16, $0xC;
	s20 =	sshll.u32 @!p1 s17, $0x7;
	[sflag:s14] =	ssyncadd.s32 @!p3 $0xFFFFF000  }
0x28: {  	s21 =	sand.u32 @!p1 $0x7, s17;
	s18 =	sadd.s32 @!p1 s18, s7;
	[sflag:s14] =	ssyncpa.u1 @!p3 $0x1  }
0x29: {  	s16 =	sor.u32 @!p1 $0x20, s16;
	s14 =	sadd.s32 @!p1 s20, s6;
	s20 =	sand.u32 @!p0 $0x1, s11  }
0x2a: {  	[tilespmem:s19], [sflag:$0x2] =	stream.linear.gather @!p1 [hbm4b:s18+s21], $0x10, $0x38;
	[tilespmem:$0x2030] =	vst v63  }
0x2b: {  	s12 =	sadd.s32 $0x1, s12;
	s11 =	sshll.u32 @!p0 s20, $0xC;
	s18 =	simm.s32 @!p0 $0x2  }
0x2c: {  	[tilespmem:s16], [sflag:$0x2] =	stream.linear.gather @!p1 [hbm4b:s14+s13], $0x1000, $0x38;
	[tilespmem:$0x2030] =	vst v63  }
0x2d: {  	p4 =	sne.s32 s10, s12;
	s19 =	sor.u32 @!p0 $0x20, s11;
	_ =	swait.ge @!p0 [sflag:s18], $0x1010  }
0x2e: {  	p3 =	por p0, p0;
	s11 =	smov.u32 s15;
	[sflag:s18] =	ssyncset.done @!p0 $0x0  }
0x2f: {  	s13 =	sshll.u32 @!p3 s20, $0x4;
	[sflag:s18] =	ssyncadd.s32 @!p3 $0xFFFFEFF0  }
0x30: {  	v0 =	vld.msk @!p3 [tilespmem:s13+$0x0 ss:$0x1], $0xffff;
	_ =	sdelay $0x5  }
0x31: {  	v0 =	vshll.u32 @!p3 v0, $0xA  }
.Ltmp2:
0x32: {  	s20 =	simm.s32 @!p3 $0x2020;
	s18 =	simm.s32 @!p3 $0x10;
	v0 =	vmin.u32 @!p3 v0, $0xC08400;
	(pc) =	sbr.rel @p4 .LBB2_4-.Ltmp2, $4  }
0x33: {  	s15 =	sadd.s32 $0x10, s17;
	s14 =	simm.s32 @!p3 $0x1;
	v0 =	vshrl.u32 @!p3 v0, $0x8  }
0x34: {  	p5 =	slt.s32 s15, s8;
	p1 =	sge.u32 s11, s9;
	p0 =	seq.s32 s11, $0x0;
	[tilespmem:$0x2020] =	vst @!p3 v0  }
0x35: {  	s16 =	sxor.u32 @!p1 $0xFFFFFFFF, s11;
	s13 =	simm.s32 @!p1 $0x0;
	(ifvalue) =	ssetifvalue @!p3 $0xC08400  }
0x36: {  	[hbm:s3] =	stream.indirect.scatter @!p3 [tilespmem:s19], [sflag:$0x1], $0x100, s20, s18, $0x40b8;
	[tilespmem:$0x2030] =	vst v63  }
0x37: {  	s12 =	smov.u32 s11  }
.LBB2_6:
0x38: {  	p4 =	por !p5, !p2;
	p3 =	por p3, !p2;
	s8 =	sand.u32 @!p1 $0x1, s16  }
0x39: {  	s15 =	smov.u32 @p4 s5;
	_ =	swait.ge @!p3 [sflag:s14], $0x1000;
	s10 =	sshll.u32 @!p1 s8, $0x4  }
0x3a: {  	s8 =	sshll.u32 @!p1 s8, $0xC;
	s5 =	smov.u32 @p2 s15;
	[sflag:s14] =	ssyncset.done @!p3 $0x0  }
0x3b: {  	s9 =	sshrl.u32 @!p1 s5, $0x3;
	s11 =	sshll.u32 @!p1 s5, $0x7;
	[sflag:s14] =	ssyncadd.s32 @!p3 $0xFFFFF000  }
0x3c: {  	s5 =	sand.u32 @!p1 $0x7, s5;
	s7 =	sadd.s32 @!p1 s9, s7;
	[sflag:s14] =	ssyncpa.u1 @!p3 $0x1  }
0x3d: {  	[tilespmem:s10], [sflag:$0x2] =	stream.linear.gather @!p1 [hbm4b:s7+s5], $0x10, $0x38;
	[tilespmem:$0x2030] =	vst v63  }
0x3e: {  	s5 =	sadd.s32 @!p1 s11, s6;
	s6 =	sor.u32 @!p1 $0x20, s8;
	s7 =	simm.s32 @!p0 $0x2  }
0x3f: {  	[tilespmem:s6], [sflag:$0x2] =	stream.linear.gather @!p1 [hbm4b:s5+s13], $0x1000, $0x38;
	[tilespmem:$0x2030] =	vst v63  }
0x40: {  	_ =	swait.ge @!p0 [sflag:s7], $0x1010  }
0x41: {  	s5 =	sand.u32 @!p0 $0x1, s12;
	p1 =	por p0, p0;
	[sflag:s7] =	ssyncset.done @!p0 $0x0  }
0x42: {  	s6 =	sshll.u32 @!p1 s5, $0x4;
	[sflag:s7] =	ssyncadd.s32 @!p1 $0xFFFFEFF0  }
0x43: {  	v0 =	vld.msk @!p1 [tilespmem:s6+$0x0 ss:$0x1], $0xffff;
	_ =	sdelay $0x4  }
0x44: {  	v0 =	vshll.u32 @!p1 v0, $0xA  }
0x45: {  	s5 =	sshll.u32 @!p0 s5, $0xC;
	v0 =	vmin.u32 @!p1 v0, $0xC08400  }
0x46: {  	s8 =	simm.s32 @!p1 $0x1;
	s5 =	sor.u32 @!p0 $0x20, s5;
	v0 =	vshrl.u32 @!p1 v0, $0x8  }
0x47: {  	s7 =	simm.s32 @!p1 $0x2020;
	s6 =	simm.s32 @!p1 $0x10;
	[tilespmem:$0x2020] =	vst @!p1 v0;
	(ifvalue) =	ssetifvalue @!p1 $0xC08400  }
0x48: {  	[hbm:s3] =	stream.indirect.scatter @!p1 [tilespmem:s5], [sflag:$0x1], $0x100, s7, s6, $0x40b8;
	[tilespmem:$0x2030] =	vst v63  }
0x49: {  	_ =	swait.ge @!p1 [sflag:s8], $0x1000  }
0x4a: {  	[sflag:s8] =	ssyncset.done @!p1 $0x0  }
0x4b: {  	[sflag:s8] =	ssyncadd.s32 @!p1 $0xFFFFF000  }
0x4c: {  	[sflag:s8] =	ssyncpa.u1 @!p1 $0x1  }
0x4d: {  	_ =	sfence.sel $0x180000  }
0x4e: {  	[bflag:$0x0] =	sbarrier.arrive $0xFFFF  }
0x4f: {  	[sflag:s4] =	ssyncpa.u1 $0x1  }
0x50: {  	[sflag:s2] =	ssyncpa.u1 $0x1  }
0x51: {  	p0 =	sne.s32 s1, $0x0;
	_ =	strace $0x90000047  }
0x52: {  	s0 =	sadd.s32 @!p0 $0x100000, s0;
	[bflag:$0x2] =	sbarrier.arrive $0xFFFF  }
0x53: {  	[sflag:s0] =	ssyncadd.tile.s32 @!p0 $0x1;
	_ =	shalt  }
.LBB2_1:
.Ltmp3:
0x54: {  	(pc) =	sbr.rel .LBB2_6-.Ltmp3, $2  }
0x55: {  	_ =	sdelay $0x2  }
0x56: {  	_ = 	snop  }
.LBB2_3:
.Ltmp4:
0x57: {  	(pc) =	sbr.rel .LBB2_6-.Ltmp4, $2  }
0x58: {  	_ =	sdelay $0x2  }
0x59: {  	s12 =	simm.s32 $0x1  }
.Lfunc_end2:
_tile_overlayer_lowered:
.L_overlay_start_2:
0x5a: {  	(tag) =	ssettag $0x2  }
0x5b: {  	s0 =	rddreg [dreg:$0x0];
	s2 =	stileid.u32  }
0x5c: {  	s1 =	rddreg [dreg:$0x1];
	p0 =	sne.s32 s2, $0x0  }
0x5d: {  	s3 =	rddreg [dreg:$0x2];
	[bflag:$0x3] =	sbarrier.arrive $0xFFFF;
	s2 =	simm.s32 @!p0 $0x1C01  }
0x5e: {  	[timem:s3], [sflag:s2] =	dma.local @!p0 [hbm:s0], s1  }
0x5f: {  	s0 =	simm.s32 @!p0 $0x1  }
0x60: {  	_ =	swait.ge @!p0 [sflag:s0], s1  }
0x61: {  	s1 =	ssub.s32 @!p0 $0x0, s1;
	[sflag:s0] =	ssyncset.done @!p0 $0x0  }
0x62: {  	[sflag:s0] =	ssyncadd.s32 @!p0 s1  }
0x63: {  	[bflag:$0x3] =	sbarrier.arrive $0xFFFF  }
0x64: {  	_ =	shalt  }

// kernel: sparse-core-data-format-call.cloned.1.call-start
scs
called_computation.2_lowered:
.L_overlay_start_0:
0x0: {  	s2 =	sld [smem:$0x3FD9]  }
0x1: {  	s3 =	sld [smem:$0x3FFE];
	_ =	sdelay $0x1  }
0x2: {  	s1 =	srdreg.scid  }
0x3: {  	s0 =	sand.u32 $0x1, s1  }
0x4: {  	s15 =	sshll.u32 s0, $0xA;
	s2 =	sadd.s32 s3, s2  }
0x5: {  	s2 =	sadd.s32 s2, s15  }
0x6: {  	[smem:$0x3FB0] =	sst s2  }
0x7: {  	_ = 	snop  }
0x8: {  	s2 =	sld [smem:$0x3FD0];
	_ =	sdelay $0x2  }
0x9: {  	s16 =	simm.s32 $0xA;
	s4 =	simm.s32 $0x10  }
0xa: {  	[smem:s4], [sflag:s16] =	dma.local [hbm:s2], $0x1  }
0xb: {  	_ =	swait.eq [sflag:s16], $0x1  }
0xc: {  	[sflag:s16] =	ssyncset.done $0x0  }
0xd: {  	[sflag:s16] =	ssyncadd.s32 $0xFFFFFFFF  }
0xe: {  	s17 =	sld [smem:$0x10];
	(tm) =	ssettm $0x1  }
0xf: {  	s18 =	sld [smem:$0x3FFB];
	_ =	sdelay $0x3  }
0x10: {  	_ =	strace s18  }
0x11: {  	s3 =	sld [smem:$0x3FFC];
	_ =	sdelay $0x3  }
0x12: {  	_ =	strace s3  }
0x13: {  	s3 =	sld [smem:$0x3FFD];
	_ =	sdelay $0x3  }
0x14: {  	_ =	strace s3  }
0x15: {  	_ =	strace $0x8FFFFFFF  }
0x16: {  	s19 =	sld [smem:$0x3FDB];
	_ =	sdelay $0x1  }
0x17: {  	s20 =	simm.s32 $_scs_section_size  }
0x18: {  	s5 =	simm.s32 $_size__tile_overlayer_lowered;
	s6 =	simm.s32 $_tile_overlayer_lowered  }
0x19: {  	s23 =	simm.s32 $0x1BFF;
	s22 =	sshll.u32 s6, $0x1;
	s3 =	sadd.s32 s20, s19  }
0x1a: {  	s7 =	simm.s32 $0x0;
	s21 =	sshll.u32 s5, $0x1;
	s5 =	sadd.s32 s22, s3  }
0x1b: {  	[timem:s7], [sflag:s23] =	dma.local [hbm:s5], s21  }
0x1c: {  	_ =	swait.ge [sflag:s23], s21  }
0x1d: {  	s4 =	ssub.s32 $0x0, s21;
	[sflag:s23] =	ssyncset.done $0x0  }
0x1e: {  	[sflag:s23] =	ssyncadd.s32 s4;
	_ =	sdelay $0x1  }
0x1f: {  	s24 =	simm.s32 $0x1B8B  }
0x20: {  	_ =	swait.ge [sflag:s24], $0x1  }
0x21: {  	[sflag:s24] =	ssyncset.done $0x0  }
0x22: {  	s26 =	simm.s32 $0x1B8E;
	s25 =	sld [smem:$0x3FFE];
	[sflag:s24] =	ssyncadd.s32 $0xFFFFFFFF  }
0x23: {  	s27 =	simm.s32 $execute0_lowered;
	[smem:$0x3FD2] =	sst s26  }
0x24: {  	s5 =	sshll.u32 s27, $0x1;
	_ =	strace $0x8000004C;
	[dreg:$0x1] =	wrdreg $0xFFFFFFFF  }
0x25: {  	s28 =	simm.s32 $_size_execute0_lowered;
	s3 =	sadd.s32 s3, s5;
	[dreg:$0x0] =	wrdreg $0x0  }
0x26: {  	s5 =	sshll.u32 s28, $0x1;
	[dreg:$0x2] =	wrdreg s3  }
0x27: {  	[dreg:$0x3] =	wrdreg s5  }
0x28: {  	[dreg:$0x4] =	wrdreg $0xC0  }
0x29: {  	_ =	task [dreg:s7], $0x5FFFF  }
0x2a: {  	[dreg:$0x1] =	wrdreg $0xFFFFFFFF  }
0x2b: {  	[dreg:$0x0] =	wrdreg $0x60  }
0x2c: {  	[dreg:$0x2] =	wrdreg s25  }
0x2d: {  	[dreg:$0x3] =	wrdreg s17  }
0x2e: {  	[dreg:$0x4] =	wrdreg $0x9  }
0x2f: {  	_ =	task.clear_ibuf [dreg:s7], $0x5FFFF;
	_ =	strace $0x9000004C  }
0x30: {  	s29 =	simm.s32 $0x9;
	_ =	strace $0x8000004E  }
0x31: {  	_ =	swait.ge [sflag:s29], $0x1  }
0x32: {  	[sflag:s29] =	ssyncadd.s32 $0xFFFFFFFF  }
0x33: {  	_ =	strace $0x9000004E  }
0x34: {  	_ =	sfence  }
0x35: {  	s30 =	sld [smem:$0x0];
	_ =	sdelay $0x2  }
0x36: {  	s31 =	sshll.u32 s1, $0xD;
	s1 =	sshrl.u32 s1, $0x2  }
0x37: {  	s3 =	sand.u32 $0x4000, s31;
	s1 =	sadd.s32 s1, s30  }
0x38: {  	s0 =	sor.u32 s3, s0;
	s1 =	sshll.u32 s1, $0x11  }
0x39: {  	s0 =	sor.u32 s1, s0  }
0x3a: {  	s0 =	sadd.s32 $0x8F2B, s0  }
0x3b: {  	[sflag:s0] =	ssyncadd.remote.s32 $0x1  }
0x3c: {  	_ =	sfence.sel $0xFFFF  }
0x3d: {  	[dreg:$0x0] =	wrdreg $0xFFFFFFFF;
	(pc) =	sbr.abs _section_cstart, $3  }
0x3e: {  	[dreg:$0x1] =	wrdreg $0xFFFFFFFF  }
0x3f: {  	_ =	task.clear_ibuf [dreg:s7], $0x2FFFF;
	_ =	strace $0x9FFFFFFF  }
0x40: {  	(tm) =	ssettm $0x7FFFFFFF  }
0x41: {  	_ =	shalt  }
tec
execute0_lowered:
.L_overlay_start_1:
0x0: {  	(tag) =	ssettag $0x1  }
0x1: {  	s0 =	rddreg [dreg:$0x0];
	s1 =	srdreg.scid;
	_ =	strace $0x8000004D  }
0x2: {  	s30 =	stileid.u32;
	s4 =	simm.s32 $0x1;
	s31 =	simm.s32 $0x2  }
0x3: {  	s16 =	simm.s32 $0x0;
	p0 =	por $0x0, $0x0;
	s14 =	simm.s32 $0x0  }
.Ltmp0:
0x4: {  	s15 =	simm.s32 $0x0;
	s7 =	simm.s32 $0x0;
	(pc) =	sbr.rel .LBB1_1-.Ltmp0, $4  }
0x5: {  	s9 =	simm.s32 $0x0;
	s10 =	simm.s32 $0x0;
	s29 =	sshll.u32 s1, $0x4  }
0x6: {  	s11 =	simm.s32 $0x0;
	s3 =	sadd.s32 $0x62D000, s0;
	s0 =	sand.u32 $0x10, s29  }
0x7: {  	s12 =	simm.s32 $0x0;
	[sflag:s4] =	ssyncpa.u1 $0x0;
	s5 =	sor.u32 s30, s0  }
0x8: {  	s8 =	simm.s32 $0x0;
	[sflag:s31] =	ssyncpa.u1 $0x0;
	s13 =	smov.u32 s5  }
.LBB1_9:
0x9: {  	p1 =	sgt.s32 s9, $0x80;
	s0 =	smov.u32 s9;
	s1 =	sshll.u32 s10, $0x8  }
0xa: {  	s2 =	sshll.u32 s9, $0x3;
	s20 =	sshll.u32 s10, $0x7;
	s23 =	smul.u32 $0x1020, s21  }
0xb: {  	s0 =	simm.s32 @!p1 $0x80;
	s1 =	sand.u32 $0xFFFFF800, s1;
	s2 =	sand.u32 $0xFFFFFC00, s2  }
0xc: {  	s22 =	sand.u32 $0x300, s20;
	s0 =	sadd.s32 s19, s0;
	s1 =	sadd.s32 s1, s2  }
0xd: {  	s26 =	smul.u32 $0x34800, s7;
	s6 =	sadd.s32 $0xFFFFFF80, s0;
	s1 =	sor.u32 s22, s1  }
0xe: {  	s0 =	ssub.s32 $0x100, s0;
	p1 =	sgt.s32 s6, $0x7F;
	s1 =	sshrl.u32 s1, $0x8  }
0xf: {  	s0 =	simm.s32 @p1 $0x0;
	s24 =	smulhi.u32 $0x124924A, s1  }
0x10: {  	s25 =	sand.u32 $0x78, s9;
	s0 =	smul.u32 s0, s17  }
0x11: {  	s27 =	rddreg [dreg:$0x1];
	s2 =	sand.u32 $0x80, s20;
	s17 =	smul.u32 $0xE0, s24  }
0x12: {  	s28 =	sand.u32 $0x7, s9;
	s2 =	sor.u32 s25, s2;
	s0 =	smul.u32 s18, s0  }
0x13: {  	s31 =	simm.s32 $0xE000;
	s29 =	sshll.u32 s28, $0x12;
	s2 =	sshrl.u32 s2, $0x3  }
0x14: {  	s1 =	ssub.s32 s1, s17;
	s17 =	sadd.s32 s27, s26;
	s0 =	smul.u32 $0x1E, s0  }
0x15: {  	s30 =	sor.u32 $0x80, s29;
	s1 =	sshll.u32 s1, $0x5;
	s2 =	sadd.s32 s2, s17  }
0x16: {  	s6 =	sor.u32 $0x2000, s23;
	s1 =	sadd.s32 s1, s2;
	s0 =	sand.u32 $0x3FFFFFFE, s0  }
0x17: {  	[hbm4b:s1+s30] =	stream.strided.scatter [tilespmem:s6], [sflag:$0x2], s0, s31, s30, $0x20;
	[tilespmem:$0x4040] =	vst v63  }
.LBB1_10:
0x18: {  	p1 =	slt.u32 s8, $0x2  }
0x19: {  	s0 =	smov.u32 s16;
	s6 =	smov.u32 s14;
	p2 =	sgt.s32 @!p1 s16, $0x7  }
0x1a: {  	s17 =	smov.u32 s12;
	s1 =	sshra.s32 @!p1 s16, $0x1F;
	p2 =	por !p2, p1  }
0x1b: {  	s1 =	sand.u32 @!p1 s1, s16;
	s0 =	simm.s32 @p2 $0x7;
	p2 =	sgt.s32 @!p1 s15, $0xDF  }
0x1c: {  	s0 =	ssub.s32 @!p1 s0, s1;
	p2 =	por !p2, p1;
	s1 =	smov.u32 s15  }
0x1d: {  	s2 =	sshra.s32 @!p1 s15, $0x1F;
	s1 =	simm.s32 @p2 $0xDF;
	p2 =	sgt.s32 @!p1 s14, $0x80  }
0x1e: {  	s2 =	sand.u32 @!p1 s2, s15;
	s15 =	sshra.s32 @!p1 s14, $0x1F;
	p2 =	por !p2, p1  }
0x1f: {  	s1 =	ssub.s32 @!p1 s1, s2;
	s2 =	sand.u32 @!p1 s15, s14;
	s6 =	simm.s32 @p2 $0x80  }
0x20: {  	s14 =	sadd.s32 @!p1 $0xFFFFFFF9, s0;
	s2 =	ssub.s32 @!p1 s6, s2;
	s6 =	sadd.s32 @!p1 $0xFFFFFF21, s1  }
0x21: {  	s0 =	ssub.s32 @!p1 $0x8, s0;
	p2 =	sgt.s32 @!p1 s6, $0x0;
	s6 =	sadd.s32 @!p1 $0xFFFFFF80, s2  }
0x22: {  	s1 =	ssub.s32 @!p1 $0xE0, s1;
	p2 =	por !p2, p1;
	p3 =	sgt.s32 @!p1 s6, $0x7F  }
0x23: {  	s2 =	ssub.s32 @!p1 $0x100, s2;
	s1 =	simm.s32 @!p2 $0x0;
	p2 =	por !p3, p1  }
0x24: {  	s0 =	smul.u32 @!p1 $0x1E, s0;
	p3 =	sgt.s32 @!p1 s14, $0x0;
	s2 =	simm.s32 @!p2 $0x0  }
0x25: {  	p2 =	por !p3, p1;
	s1 =	smul.u32 @!p1 s1, s2;
	s2 =	sadd.s32 $0x1, s11  }
0x26: {  	s6 =	sadd.s32 $0x80, s12;
	s0 =	simm.s32 @!p2 $0x0;
	p2 =	sgt.s32 s2, $0x7  }
0x27: {  	s0 =	smul.u32 @!p1 s0, s1;
	s17 =	smov.u32 @p2 s6  }
0x28: {  	s1 =	sadd.s32 $0x20, s13;
	s6 =	smov.u32 s13;
	p3 =	sgt.s32 s17, $0xDF  }
0x29: {  	s8 =	sadd.s32 $0x1, s8;
	p0 =	por !p0, !p0;
	s6 =	smov.u32 @p3 s1  }
0x2a: {  	s16 =	smov.u32 s7;
	s2 =	simm.s32 @p2 $0x0;
	p2 =	sgt.s32 s6, $0xDF  }
0x2b: {  	s7 =	smov.u32 s11;
	s6 =	smov.u32 @p2 s5;
	p2 =	sne.s32 s8, $0x72  }
.Ltmp1:
0x2c: {  	s15 =	smov.u32 s10;
	s10 =	smov.u32 s13;
	(pc) =	sbr.rel @!p2 .LBB1_11-.Ltmp1, $4  }
0x2d: {  	s14 =	smov.u32 s9;
	s0 =	sand.u32 @!p1 $0x3FFFFFFE, s0;
	s1 =	simm.s32 @!p1 $0x2  }
0x2e: {  	s9 =	smov.u32 s12;
	s11 =	smov.u32 s2;
	_ =	swait.ge @!p1 [sflag:s1], s0  }
0x2f: {  	s17 =	simm.s32 @p3 $0x0;
	s0 =	ssub.s32 @!p1 $0x0, s0;
	[sflag:s1] =	ssyncset.done @!p1 $0x0  }
0x30: {  	s12 =	smov.u32 s17;
	[sflag:s1] =	ssyncadd.s32 @!p1 s0;
	s13 =	smov.u32 s6  }
.LBB1_1:
0x31: {  	p1 =	sgt.u32 s8, $0x6F;
	s0 =	smov.u32 s13  }
0x32: {  	s17 =	smov.u32 s12;
	p2 =	sgt.s32 @!p1 s13, $0xDF;
	s1 =	sxor.u32 @!p1 $0xFFFFFFFF, s8  }
0x33: {  	s2 =	sshra.s32 @!p1 s13, $0x1F;
	s18 =	sshra.s32 @!p1 s12, $0x1F;
	p2 =	por !p2, p1  }
0x34: {  	s2 =	sand.u32 @!p1 s2, s13;
	s0 =	simm.s32 @p2 $0xDF;
	p2 =	sgt.s32 @!p1 s12, $0x60  }
0x35: {  	s18 =	sand.u32 @!p1 s18, s12;
	p2 =	por !p2, p1;
	s0 =	ssub.s32 @!p1 s0, s2  }
0x36: {  	s17 =	simm.s32 @p2 $0x60;
	p2 =	sgt.s32 @!p1 s11, $0x7;
	s0 =	sadd.s32 @!p1 $0xFFFFFF21, s0  }
0x37: {  	s2 =	ssub.s32 @!p1 s17, s18;
	p2 =	por !p2, p1;
	s18 =	smov.u32 s11  }
0x38: {  	s17 =	sadd.s32 @!p1 $0xFFFFFFA0, s2;
	s18 =	simm.s32 @p2 $0x7;
	p2 =	sgt.s32 @!p1 s0, $0x0  }
0x39: {  	s0 =	sshll.u32 @!p1 s0, $0x5;
	p3 =	sgt.s32 @!p1 s17, $0x7F;
	s17 =	sshra.s32 @!p1 s11, $0x1F  }
0x3a: {  	s2 =	ssub.s32 @!p1 $0xE0, s2;
	s0 =	ssub.s32 @!p1 $0x20, s0;
	s17 =	sand.u32 @!p1 s17, s11  }
0x3b: {  	p2 =	por !p2, p1;
	p3 =	por !p3, p1;
	s17 =	ssub.s32 @!p1 s18, s17  }
0x3c: {  	s0 =	simm.s32 @!p2 $0x0;
	s2 =	simm.s32 @!p3 $0x0;
	s18 =	sadd.s32 @!p1 $0xFFFFFFF9, s17  }
0x3d: {  	s1 =	sshll.u32 @!p1 s1, $0xC;
	s0 =	smul.u32 @!p1 s2, s0;
	p3 =	sgt.s32 @!p1 s18, $0x0  }
0x3e: {  	s17 =	ssub.s32 @!p1 $0x8, s17;
	s2 =	smul.u32 @!p1 $0x7000, s13;
	p2 =	por !p3, p1  }
0x3f: {  	s1 =	sand.u32 @!p1 $0x1000, s1;
	s18 =	sshll.u32 @!p1 s11, $0x4;
	s17 =	simm.s32 @!p2 $0x0  }
0x40: {  	s2 =	sadd.s32 @!p1 s3, s2;
	s0 =	smul.u32 @!p1 s17, s0;
	s17 =	sshll.u32 @!p1 s12, $0x7  }
0x41: {  	s18 =	sand.u32 @!p1 $0x70, s18;
	s2 =	sadd.s32 @!p1 s17, s2;
	s17 =	simm.s32 @!p1 $0x20  }
0x42: {  	s0 =	sand.u32 @!p1 $0x3FFFFFE0, s0;
	s2 =	sadd.s32 @!p1 s18, s2;
	s18 =	simm.s32 @!p1 $0x400  }
0x43: {  	[tilespmem:s1], [sflag:$0x1] =	stream.strided.gather @!p1 [hbm4b:s2+s17], s0, s18, s17, $0x38;
	[tilespmem:$0x4040] =	vst v63  }
0x44: {  	p1 =	seq.s32 s8, $0x0  }
0x45: {  	p2 =	seq.s32 @!p1 s8, $0x71  }
0x46: {  	p1 =	por p1, p2  }
.Ltmp2:
0x47: {  	_ = 	snop;
	(pc) =	sbr.rel @p1 .LBB1_10-.Ltmp2, $1  }
0x48: {  	_ =	sdelay $0x3  }
0x49: {  	p1 =	sgt.s32 s10, $0xDF;
	s0 =	smov.u32 s10;
	s1 =	sshra.s32 s10, $0x1F  }
0x4a: {  	s27 =	ssub.s32 $0x0, s9;
	s2 =	sshra.s32 s9, $0x1F;
	p2 =	sgt.s32 s7, $0x7  }
0x4b: {  	s17 =	smov.u32 s7;
	s18 =	sshra.s32 s7, $0x1F;
	p3 =	sgt.s32 s9, $0x60  }
0x4c: {  	s20 =	smov.u32 s9;
	s21 =	sadd.s32 $0x80, s9;
	s0 =	simm.s32 @!p1 $0xDF  }
0x4d: {  	s1 =	sand.u32 s1, s10;
	s17 =	simm.s32 @!p2 $0x7;
	s18 =	sand.u32 s18, s7  }
0x4e: {  	s19 =	sand.u32 s27, s2;
	s20 =	simm.s32 @!p3 $0x60;
	s2 =	sadd.s32 $0x1, s10  }
0x4f: {  	s0 =	ssub.s32 s0, s1;
	s28 =	ssub.s32 s17, s18;
	s29 =	sadd.s32 s19, s20  }
0x50: {  	s1 =	sadd.s32 $0xFFFFFF21, s0;
	s17 =	ssub.s32 $0xE0, s0;
	s30 =	sadd.s32 $0xFFFFFFF9, s28  }
0x51: {  	s20 =	sadd.s32 $0xFFFFFFA0, s29;
	s18 =	ssub.s32 $0x8, s28;
	p1 =	sgt.s32 s1, $0x0  }
0x52: {  	s0 =	ssub.s32 $0xE0, s29;
	s17 =	simm.s32 @p1 $0x0;
	p1 =	sgt.s32 s20, $0x7F  }
0x53: {  	p2 =	sgt.s32 s30, $0x0;
	s0 =	simm.s32 @p1 $0x0;
	p1 =	slt.s32 s2, $0xE0  }
0x54: {  	s1 =	sadd.s32 $0x1, s7;
	s2 =	simm.s32 @!p1 $0xE0;
	p1 =	slt.s32 s21, $0xE0  }
0x55: {  	s18 =	simm.s32 @p2 $0x0;
	s20 =	ssub.s32 s2, s10;
	s21 =	simm.s32 @!p1 $0xE0  }
0x56: {  	p2 =	slt.s32 s1, $0x8;
	s22 =	ssub.s32 s21, s9;
	p1 =	slt.s32 s20, $0x1  }
0x57: {  	s31 =	smul.u32 s17, s18;
	s1 =	simm.s32 @!p2 $0x8;
	p2 =	slt.s32 @!p1 s22, $0x1  }
0x58: {  	s23 =	ssub.s32 s1, s7;
	p2 =	por p1, p2  }
0x59: {  	s0 =	smul.u32 s0, s31;
	p3 =	slt.s32 @!p2 s23, $0x1  }
0x5a: {  	p2 =	por p2, p3  }
.Ltmp3:
0x5b: {  	s0 =	sshll.u32 s0, $0x5;
	(pc) =	sbr.rel @p2 .LBB1_9-.Ltmp3, $4  }
0x5c: {  	s0 =	sand.u32 $0x3FFFFFE0, s0  }
0x5d: {  	_ =	swait.ge [sflag:s4], s0  }
0x5e: {  	s0 =	ssub.s32 $0x0, s0;
	[sflag:s4] =	ssyncset.done $0x0  }
0x5f: {  	s21 =	sand.u32 $0x1, s8;
	[sflag:s4] =	ssyncadd.s32 s0  }
0x60: {  	s0 =	simm.s32 $0x1  }
0x61: {  	s0 =	simm.s32 @!p0 $0x0  }
0x62: {  	s0 =	smul.u32 $0x4080, s0;
	_ =	sdelay $0x1  }
0x63: {  	s24 =	sshll.u32 @!p1 s21, $0xC;
	s0 =	sshrl.u32 s0, $0x2  }
0x64: {  	s26 =	simm.s32 $0x0;
	s27 =	simm.s32 $0x0;
	s25 =	sor.u32 $0x2000, s0  }
.LBB1_4:
0x65: {  	s0 =	sand.u32 $0x7, s26  }
0x66: {  	s0 =	smul.u32 $0x204, s0  }
0x67: {  	s1 =	sshll.u32 s27, $0xE  }
0x68: {  	s30 =	simm.s32 $0x0;
	s1 =	sshra.s32 s1, $0x2;
	s0 =	sshrl.u32 s0, $0x2  }
0x69: {  	s31 =	simm.s32 $0x0;
	s28 =	sadd.s32 s1, s24;
	s29 =	sadd.s32 s0, s25  }
.LBB1_5:
0x6a: {  	s0 =	sshll.u32 s31, $0x7  }
0x6b: {  	s0 =	sshra.s32 s0, $0x2  }
0x6c: {  	s0 =	sadd.s32 s0, s28  }
0x6d: {  	v0 =	vmov s0;
	_ =	sdelay $0x2  }
0x6e: {  	s2 =	simm.s32 $0x0;
	p1 =	sne.s32 s23, $0x1  }
.Ltmp4:
0x6f: {  	s2 =	sand.u32 $0xE0, s2;
	(pc) =	sbr.rel @!p1 .LBB1_7-.Ltmp4, $4  }
0x70: {  	v1 =	vld.idx.msk [tilespmem:v0+s2+$0x10 ss:$0x1], $0xffff  }
0x71: {  	v2 =	vld.idx.msk [tilespmem:v0+s2+$0x0 ss:$0x1], $0xffff  }
0x72: {  	s6 =	sand.u32 $0x7F, s30  }
0x73: {  	s1 =	sadd.s32 $0xFFFFFFFF, s23;
	s0 =	sadd.s32 s6, s29;
	s2 =	simm.s32 $0x20  }
.LBB1_6:
0x74: {  	s6 =	sand.u32 $0xE0, s2;
	p1 =	sne.s32 s1, $0x1;
	s1 =	sadd.s32 $0xFFFFFFFF, s1  }
.Ltmp5:
0x75: {  	[tilespmem:s0+$0x810 ss:$0x81] =	vst.msk $0xffff, v1;
	v1 =	vld.idx.msk [tilespmem:v0+s6+$0x10 ss:$0x1], $0xffff;
	(pc) =	sbr.rel @p1 .LBB1_6-.Ltmp5, $2  }
0x76: {  	[tilespmem:s0+$0x0 ss:$0x81] =	vst.msk $0xffff, v2;
	v2 =	vld.idx.msk [tilespmem:v0+s6+$0x0 ss:$0x1], $0xffff;
	_ =	sdelay $0x2  }
0x77: {  	s2 =	sadd.s32 $0x20, s2;
	s0 =	sadd.s32 $0x1020, s0  }
.LBB1_7:
0x78: {  	s31 =	sadd.s32 $0x1, s31  }
0x79: {  	p1 =	sne.s32 s31, s22  }
.Ltmp6:
0x7a: {  	_ = 	snop;
	(pc) =	sbr.rel @p1 .LBB1_5-.Ltmp6, $3  }
0x7b: {  	_ =	sdelay $0x1  }
0x7c: {  	[tilespmem:s0+$0x810 ss:$0x81] =	vst.msk $0xffff, v1  }
0x7d: {  	s30 =	sadd.s32 $0x1, s30;
	[tilespmem:s0+$0x0 ss:$0x81] =	vst.msk $0xffff, v2  }
0x7e: {  	s27 =	sadd.s32 $0x1, s27  }
0x7f: {  	p1 =	sne.s32 s27, s20  }
.Ltmp7:
0x80: {  	_ = 	snop;
	(pc) =	sbr.rel @p1 .LBB1_4-.Ltmp7, $4  }
.Ltmp8:
0x81: {  	_ = 	snop;
	(pc) =	sbr.rel @!p1 .LBB1_9-.Ltmp8, $4  }
0x82: {  	_ = 	snop  }
0x83: {  	_ = 	snop  }
0x84: {  	s26 =	sadd.s32 $0x1, s26  }
0x85: {  	_ = 	snop  }
.LBB1_11:
0x86: {  	_ =	sfence.sel $0x180000  }
0x87: {  	s0 =	simm.s32 $0x1;
	[bflag:$0x0] =	sbarrier.arrive $0xFFFF  }
0x88: {  	s30 =	simm.s32 $0x2;
	[sflag:s0] =	ssyncpa.u1 $0x1  }
0x89: {  	[sflag:s30] =	ssyncpa.u1 $0x1  }
0x8a: {  	_ =	strace $0x9000004D  }
0x8b: {  	s31 =	stileid.u32;
	[bflag:$0x2] =	sbarrier.arrive $0xFFFF  }
0x8c: {  	p0 =	sne.s32 s31, $0x0;
	s0 =	rddreg [dreg:$0x2]  }
0x8d: {  	s0 =	sadd.s32 @!p0 $0x100000, s0  }
0x8e: {  	[sflag:s0] =	ssyncadd.tile.s32 @!p0 $0x1;
	_ =	shalt  }
.Lfunc_end1:
_tile_overlayer_lowered:
.L_overlay_start_2:
0x8f: {  	(tag) =	ssettag $0x2  }
0x90: {  	s0 =	rddreg [dreg:$0x0];
	s2 =	stileid.u32  }
0x91: {  	s1 =	rddreg [dreg:$0x1];
	p0 =	sne.s32 s2, $0x0  }
0x92: {  	s3 =	rddreg [dreg:$0x2];
	[bflag:$0x3] =	sbarrier.arrive $0xFFFF;
	s2 =	simm.s32 @!p0 $0x1C01  }
0x93: {  	[timem:s3], [sflag:s2] =	dma.local @!p0 [hbm:s0], s1  }
0x94: {  	s0 =	simm.s32 @!p0 $0x1  }
0x95: {  	_ =	swait.ge @!p0 [sflag:s0], s1  }
0x96: {  	s1 =	ssub.s32 @!p0 $0x0, s1;
	[sflag:s0] =	ssyncset.done @!p0 $0x0  }
0x97: {  	[sflag:s0] =	ssyncadd.s32 @!p0 s1  }
0x98: {  	[bflag:$0x3] =	sbarrier.arrive $0xFFFF  }
0x99: {  	_ =	shalt  }

</sc_bundles>
